<compile_context>
chip_gen: v7x
topology: tpu7x:2x2x1
jax: 0.10.2.dev20260603
libtpu: 0.0.44.dev20260713+nightly
codegen_flags: <defaults>
</compile_context>

<pallas_src>
import functools
import jax
import jax.numpy as jnp
from jax import lax
from jax.experimental import pallas as pl
from jax.experimental.pallas import tpu as pltpu
from jax.experimental.pallas import tpu_sc as plsc

_SPB = 4

_NC, _NS = 2, 16
_NW = _NC * _NS
_CH = 128


def _body_a(enc_ref, dec_ref, Wpre_ref, bpre_ref, cbT_ref, cb_ref, Wpost_ref,
            bpost_ref, out_ref, codes_ref, cm_ref, kl_ref, cbW_out_ref,
            cbW_ref, cbT2_ref, c2_ref, Wpost_bf_ref):
    T, D = enc_ref.shape[1], enc_ref.shape[2]
    K = cb_ref.shape[0]
    b = pl.program_id(0)

    @pl.when(b == 0)
    def _init():
        cb = cb_ref[...]
        Wpost = Wpost_ref[...]
        cbW_ref[...] = jnp.dot(cb, Wpost,
                               preferred_element_type=jnp.float32)
        cbW_out_ref[...] = cbW_ref[...]
        Wpost_bf_ref[...] = Wpost.astype(jnp.bfloat16)
        cbT = cbT_ref[...]
        cbT2_ref[...] = cbT * -2.0
        c2_ref[...] = jnp.sum(cbT * cbT, axis=0, keepdims=True)

    iota = jax.lax.broadcasted_iota(
        jnp.int32, (T, K), 1).astype(jnp.float32)
    ones_row = jnp.ones((8, T), dtype=jnp.bfloat16)
    for i in range(_SPB):
        e = enc_ref[i]
        d = dec_ref[i]
        r = jnp.dot(e - d, Wpre_ref[...],
                    preferred_element_type=jnp.float32) + bpre_ref[...]
        scores = jnp.dot(r, cbT2_ref[...],
                         preferred_element_type=jnp.float32) + c2_ref[...]
        m = jnp.min(scores, axis=1)
        codes = jnp.min(jnp.where(scores <= m[:, None], iota, float(K)),
                        axis=1)
        onehot = jnp.where(iota == codes[:, None], 1.0, 0.0
                           ).astype(jnp.bfloat16)

        cm = (jnp.sum(r * r) + jnp.sum(m)) / (T * D)
        counts = jnp.dot(ones_row, onehot,
                         preferred_element_type=jnp.float32)[0]
        p = counts * (1.0 / T)
        klv = jnp.sum(p * jnp.log(p * K + 1e-10))

        codes_ref[i, 0, :] = codes.astype(jnp.int32)
        cm_ref[i, 0, :] = jnp.full((128,), cm, dtype=jnp.float32)
        kl_ref[i, 0, :] = jnp.full((128,), klv, dtype=jnp.float32)
        out_ref[i] = (jnp.dot(d.astype(jnp.bfloat16), Wpost_bf_ref[...],
                              preferred_element_type=jnp.float32)
                      + bpost_ref[...])


def _sc_gather(N, D):
    b_per_w = N // _NW
    mesh = plsc.VectorSubcoreMesh(core_axis_name="c", subcore_axis_name="s")

    @functools.partial(
        pl.kernel, mesh=mesh,
        out_type=jax.ShapeDtypeStruct((N, D), jnp.float32),
        scratch_types=[
            pltpu.VMEM((_CH,), jnp.int32),
            pltpu.VMEM((_CH, D), jnp.float32),
            pltpu.SemaphoreType.DMA,
        ],
    )
    def k(table_hbm, idx_hbm, out_hbm, idx_v, rows_v, sem):
        wid = lax.axis_index("s") * _NC + lax.axis_index("c")
        base = wid * b_per_w
        for j in range(b_per_w // _CH):
            off = base + j * _CH
            pltpu.sync_copy(idx_hbm.at[pl.ds(off, _CH)], idx_v)
            pltpu.async_copy(table_hbm.at[idx_v], rows_v, sem).wait()
            pltpu.sync_copy(rows_v, out_hbm.at[pl.ds(off, _CH)])

    return k


def _body_add(a_ref, b_ref, o_ref):
    o_ref[...] = a_ref[...] + b_ref[...]


def kernel(enc, dec, W_pre, b_pre, codebook, W_post, b_post):
    B, T, D = enc.shape
    K = codebook.shape[0]
    N = B * T
    cbT = codebook.T
    bpre2 = b_pre.reshape(1, D)
    bpost2 = b_post.reshape(1, D)

    out_shapes = (
        jax.ShapeDtypeStruct((B, T, D), jnp.float32),
        jax.ShapeDtypeStruct((B, 1, T), jnp.int32),
        jax.ShapeDtypeStruct((B, 1, 128), jnp.float32),
        jax.ShapeDtypeStruct((B, 1, 128), jnp.float32),
        jax.ShapeDtypeStruct((K, D), jnp.float32),
    )
    full = lambda shape: pl.BlockSpec(shape, lambda b: (0,) * len(shape))
    out_partial, codes3, cm2, kl2, cbW = pl.pallas_call(
        _body_a,
        grid=(B // _SPB,),
        in_specs=[
            pl.BlockSpec((_SPB, T, D), lambda b: (b, 0, 0)),
            pl.BlockSpec((_SPB, T, D), lambda b: (b, 0, 0)),
            full((D, D)),
            full((1, D)),
            full((D, K)),
            full((K, D)),
            full((D, D)),
            full((1, D)),
        ],
        out_specs=(
            pl.BlockSpec((_SPB, T, D), lambda b: (b, 0, 0)),
            pl.BlockSpec((_SPB, 1, T), lambda b: (b, 0, 0)),
            pl.BlockSpec((_SPB, 1, 128), lambda b: (b, 0, 0)),
            pl.BlockSpec((_SPB, 1, 128), lambda b: (b, 0, 0)),
            full((K, D)),
        ),
        scratch_shapes=[
            pltpu.VMEM((K, D), jnp.float32),
            pltpu.VMEM((D, K), jnp.float32),
            pltpu.VMEM((1, K), jnp.float32),
            pltpu.VMEM((D, D), jnp.bfloat16),
        ],
        out_shape=out_shapes,
    )(enc, dec, W_pre, bpre2, cbT, codebook, W_post, bpost2)

    codes_flat = codes3.reshape(N)
    qW = _sc_gather(N, D)(cbW, codes_flat)

    dec_refine = pl.pallas_call(
        _body_add,
        grid=(8,),
        in_specs=[
            pl.BlockSpec((N // 8, D), lambda b: (b, 0)),
            pl.BlockSpec((N // 8, D), lambda b: (b, 0)),
        ],
        out_specs=pl.BlockSpec((N // 8, D), lambda b: (b, 0)),
        out_shape=jax.ShapeDtypeStruct((N, D), jnp.float32),
    )(out_partial.reshape(N, D), qW).reshape(B, T, D)

    cm = cm2[:, 0, 0]
    kl = kl2[:, 0, 0]
    return dec_refine, cm, cm, kl

# --- scband reference (transcript-rebuilt; emitter-appended) ---
"""Pipeline reference for scband-base-cross-scale-decoder-45672682226602 (READ-ONLY COPY).

The authoritative reference and input builder live on the scoring server;
editing this copy changes nothing except your own understanding.
"""

import jax, jax.numpy as jnp
import numpy as np

B, T, D, K = 16, 1024, 256, 1024


def setup_inputs(seed: int = 0) -> dict:
    key = jax.random.key(seed)
    ks = jax.random.split(key, 6)
    enc = jax.random.normal(ks[0], (B, T, D), dtype=jnp.float32)
    dec = jax.random.normal(ks[1], (B, T, D), dtype=jnp.float32)
    # learned params: pre-fuse linear, codebook, post-fuse linear
    W_pre = jax.random.normal(ks[2], (D, D), dtype=jnp.float32) * 0.05
    b_pre = jnp.zeros((D,), dtype=jnp.float32)
    codebook = jax.random.normal(ks[3], (K, D), dtype=jnp.float32)
    W_post = jax.random.normal(ks[4], (D, D), dtype=jnp.float32) * 0.05
    b_post = jnp.zeros((D,), dtype=jnp.float32)
    return {"enc": enc, "dec": dec, "W_pre": W_pre, "b_pre": b_pre,
            "codebook": codebook, "W_post": W_post, "b_post": b_post}


def reference(enc, dec, W_pre, b_pre, codebook, W_post, b_post):
    alpha = 1.0
    # res_pre_fuse: pre_fuse_net[idx](enc - dec)  (linear proj of residual)
    residual = jnp.einsum('btd,de->bte', enc - dec, W_pre) + b_pre
    # vq(residual): nearest-neighbor lookup in codebook
    d2 = (jnp.sum(residual ** 2, axis=-1, keepdims=True)
          - 2.0 * jnp.einsum('btd,kd->btk', residual, codebook)
          + jnp.sum(codebook ** 2, axis=-1)[None, None, :])
    codes = jnp.argmin(d2, axis=-1)                      # int [B, T]
    quantized = jnp.take(codebook, codes, axis=0)        # gather [B, T, D]
    # straight-through estimator
    residual_q = residual + jax.lax.stop_gradient(quantized - residual)
    # per-sample commitment / codebook losses
    cm_loss = jnp.mean((residual - jax.lax.stop_gradient(quantized)) ** 2, axis=(1, 2))
    cb_loss = jnp.mean((jax.lax.stop_gradient(residual) - quantized) ** 2, axis=(1, 2))
    # per-sample code-usage KL vs uniform
    onehot = jax.nn.one_hot(codes, K, dtype=jnp.float32)
    p = jnp.mean(onehot, axis=1)                          # [B, K]
    kl_loss = jnp.sum(p * jnp.log(p * K + 1e-10), axis=-1)
    # alpha scaling (transmit=True path)
    residual_q = residual_q * alpha
    cm_loss = cm_loss * alpha
    cb_loss = cb_loss * alpha
    kl_loss = kl_loss * alpha
    # res_post_fuse: post_fuse_net[idx](residual_q + dec)
    dec_refine = jnp.einsum('btd,de->bte', residual_q + dec, W_post) + b_post
    return dec_refine, cm_loss, cb_loss, kl_loss

if __name__ == "__main__":
    import jax
    _d = setup_inputs()
    print(jax.jit(kernel)(*tuple(_d.values())))

</pallas_src>

<mosaic_0001>
#map = affine_map<(d0, d1) -> (0, 0)>
#map1 = affine_map<(d0, d1) -> (0)>
module attributes {stable_mosaic.version = 14 : i64} {
  func.func @k(%arg0: i32, %arg1: i32, %arg2: memref<1024x256xf32, #tpu.memory_space<hbm>>, %arg3: memref<16384xi32, #tpu.memory_space<hbm>>, %arg4: memref<16384x256xf32, #tpu.memory_space<hbm>>, %arg5: memref<128xi32, #tpu.memory_space<vmem>>, %arg6: memref<128x256xf32, #tpu.memory_space<vmem>>, %arg7: memref<!tpu.dma_semaphore, #tpu.memory_space<semaphore_mem>>) attributes {dimension_semantics = [#tpu.dimension_semantics<core_parallel>, #tpu.dimension_semantics<subcore_parallel>], iteration_bounds = array<i64: 2, 16>, scalar_prefetch = 0 : i64, scratch_operands = 3 : i64, tpu.core_type = #tpu.core_type<sc_vector_subcore>, window_params = [{transform_indices = #map}, {transform_indices = #map1}, {transform_indices = #map}]} {
    %mul3A = arith.constant 2 : i32
    %mul3A_0 = arith.muli %arg1, %mul3A : i32
    %add3A = arith.addi %mul3A_0, %arg0 : i32
    %mul3A_1 = arith.constant 512 : i32
    %mul3A_2 = arith.muli %add3A, %mul3A_1 : i32
    %add3A_3 = arith.constant 0 : i32
    %add3A_4 = arith.addi %mul3A_2, %add3A_3 : i32
    "tpu.region"() ({
      %run_scoped3A = tpu.sem_alloc : memref<!tpu.dma_semaphore, #tpu.memory_space<semaphore_mem>>
      %dma_start3A_33 = tpu.memref_slice %arg3[%add3A_4] : memref<16384xi32, #tpu.memory_space<hbm>> -> memref<128xi32, #tpu.memory_space<hbm>>
      %dma_start3A_34 = tpu.memref_slice %arg3[%add3A_4] : memref<16384xi32, #tpu.memory_space<hbm>> -> memref<128xi32, #tpu.memory_space<hbm>>
      tpu.enqueue_dma source(%dma_start3A_34 : memref<128xi32, #tpu.memory_space<hbm>>) target(%arg5 : memref<128xi32, #tpu.memory_space<vmem>>) target_semaphore(%run_scoped3A : memref<!tpu.dma_semaphore, #tpu.memory_space<semaphore_mem>>)
      %dma_wait3A_35 = tpu.memref_slice %arg3[%add3A_4] : memref<16384xi32, #tpu.memory_space<hbm>> -> memref<128xi32, #tpu.memory_space<hbm>>
      %dma_wait3A_36 = tpu.memref_slice %arg3[%add3A_4] : memref<16384xi32, #tpu.memory_space<hbm>> -> memref<128xi32, #tpu.memory_space<hbm>>
      tpu.wait_dma2 semaphore(%run_scoped3A : memref<!tpu.dma_semaphore, #tpu.memory_space<semaphore_mem>>) src(%dma_wait3A_36 : memref<128xi32, #tpu.memory_space<hbm>>) dst(%arg5 : memref<128xi32, #tpu.memory_space<vmem>>)
      tpu.yield
    }) : () -> ()
    %dma_start3A = arith.constant 0 : i32
    %dma_start3A_5 = arith.constant 0 : i32
    %dma_start3A_6 = tpu.memref_slice %arg2[%dma_start3A, %dma_start3A_5] : memref<1024x256xf32, #tpu.memory_space<hbm>> -> memref<1024x256xf32, #tpu.memory_space<hbm>>
    tpu.enqueue_indirect_dma source(%dma_start3A_6 : memref<1024x256xf32, #tpu.memory_space<hbm>>) target(%arg6 : memref<128x256xf32, #tpu.memory_space<vmem>>) offsets(%arg5 : memref<128xi32, #tpu.memory_space<vmem>>) semaphore(%arg7 : memref<!tpu.dma_semaphore, #tpu.memory_space<semaphore_mem>>)
    %dma_wait3A = arith.constant 0 : i32
    %dma_wait3A_7 = arith.constant 0 : i32
    %dma_wait3A_8 = tpu.memref_slice %arg2[%dma_wait3A, %dma_wait3A_7] : memref<1024x256xf32, #tpu.memory_space<hbm>> -> memref<1024x256xf32, #tpu.memory_space<hbm>>
    tpu.wait_indirect_dma semaphore(%arg7 : memref<!tpu.dma_semaphore, #tpu.memory_space<semaphore_mem>>) src(%dma_wait3A_8 : memref<1024x256xf32, #tpu.memory_space<hbm>>) dst(%arg6 : memref<128x256xf32, #tpu.memory_space<vmem>>)
    "tpu.region"() ({
      %run_scoped3A = tpu.sem_alloc : memref<!tpu.dma_semaphore, #tpu.memory_space<semaphore_mem>>
      %dma_start3A_33 = arith.constant 0 : i32
      %dma_start3A_34 = tpu.memref_slice %arg4[%add3A_4, %dma_start3A_33] : memref<16384x256xf32, #tpu.memory_space<hbm>> -> memref<128x256xf32, #tpu.memory_space<hbm>>
      %dma_start3A_35 = arith.constant 0 : i32
      %dma_start3A_36 = tpu.memref_slice %arg4[%add3A_4, %dma_start3A_35] : memref<16384x256xf32, #tpu.memory_space<hbm>> -> memref<128x256xf32, #tpu.memory_space<hbm>>
      tpu.enqueue_dma source(%arg6 : memref<128x256xf32, #tpu.memory_space<vmem>>) target(%dma_start3A_36 : memref<128x256xf32, #tpu.memory_space<hbm>>) target_semaphore(%run_scoped3A : memref<!tpu.dma_semaphore, #tpu.memory_space<semaphore_mem>>)
      %dma_wait3A_37 = arith.constant 0 : i32
      %dma_wait3A_38 = tpu.memref_slice %arg4[%add3A_4, %dma_wait3A_37] : memref<16384x256xf32, #tpu.memory_space<hbm>> -> memref<128x256xf32, #tpu.memory_space<hbm>>
      %dma_wait3A_39 = arith.constant 0 : i32
      %dma_wait3A_40 = tpu.memref_slice %arg4[%add3A_4, %dma_wait3A_39] : memref<16384x256xf32, #tpu.memory_space<hbm>> -> memref<128x256xf32, #tpu.memory_space<hbm>>
      tpu.wait_dma2 semaphore(%run_scoped3A : memref<!tpu.dma_semaphore, #tpu.memory_space<semaphore_mem>>) src(%arg6 : memref<128x256xf32, #tpu.memory_space<vmem>>) dst(%dma_wait3A_40 : memref<128x256xf32, #tpu.memory_space<hbm>>)
      tpu.yield
    }) : () -> ()
    %add3A_9 = arith.constant 128 : i32
    %add3A_10 = arith.addi %mul3A_2, %add3A_9 : i32
    "tpu.region"() ({
      %run_scoped3A = tpu.sem_alloc : memref<!tpu.dma_semaphore, #tpu.memory_space<semaphore_mem>>
      %dma_start3A_33 = tpu.memref_slice %arg3[%add3A_10] : memref<16384xi32, #tpu.memory_space<hbm>> -> memref<128xi32, #tpu.memory_space<hbm>>
      %dma_start3A_34 = tpu.memref_slice %arg3[%add3A_10] : memref<16384xi32, #tpu.memory_space<hbm>> -> memref<128xi32, #tpu.memory_space<hbm>>
      tpu.enqueue_dma source(%dma_start3A_34 : memref<128xi32, #tpu.memory_space<hbm>>) target(%arg5 : memref<128xi32, #tpu.memory_space<vmem>>) target_semaphore(%run_scoped3A : memref<!tpu.dma_semaphore, #tpu.memory_space<semaphore_mem>>)
      %dma_wait3A_35 = tpu.memref_slice %arg3[%add3A_10] : memref<16384xi32, #tpu.memory_space<hbm>> -> memref<128xi32, #tpu.memory_space<hbm>>
      %dma_wait3A_36 = tpu.memref_slice %arg3[%add3A_10] : memref<16384xi32, #tpu.memory_space<hbm>> -> memref<128xi32, #tpu.memory_space<hbm>>
      tpu.wait_dma2 semaphore(%run_scoped3A : memref<!tpu.dma_semaphore, #tpu.memory_space<semaphore_mem>>) src(%dma_wait3A_36 : memref<128xi32, #tpu.memory_space<hbm>>) dst(%arg5 : memref<128xi32, #tpu.memory_space<vmem>>)
      tpu.yield
    }) : () -> ()
    %dma_start3A_11 = arith.constant 0 : i32
    %dma_start3A_12 = arith.constant 0 : i32
    %dma_start3A_13 = tpu.memref_slice %arg2[%dma_start3A_11, %dma_start3A_12] : memref<1024x256xf32, #tpu.memory_space<hbm>> -> memref<1024x256xf32, #tpu.memory_space<hbm>>
    tpu.enqueue_indirect_dma source(%dma_start3A_13 : memref<1024x256xf32, #tpu.memory_space<hbm>>) target(%arg6 : memref<128x256xf32, #tpu.memory_space<vmem>>) offsets(%arg5 : memref<128xi32, #tpu.memory_space<vmem>>) semaphore(%arg7 : memref<!tpu.dma_semaphore, #tpu.memory_space<semaphore_mem>>)
    %dma_wait3A_14 = arith.constant 0 : i32
    %dma_wait3A_15 = arith.constant 0 : i32
    %dma_wait3A_16 = tpu.memref_slice %arg2[%dma_wait3A_14, %dma_wait3A_15] : memref<1024x256xf32, #tpu.memory_space<hbm>> -> memref<1024x256xf32, #tpu.memory_space<hbm>>
    tpu.wait_indirect_dma semaphore(%arg7 : memref<!tpu.dma_semaphore, #tpu.memory_space<semaphore_mem>>) src(%dma_wait3A_16 : memref<1024x256xf32, #tpu.memory_space<hbm>>) dst(%arg6 : memref<128x256xf32, #tpu.memory_space<vmem>>)
    "tpu.region"() ({
      %run_scoped3A = tpu.sem_alloc : memref<!tpu.dma_semaphore, #tpu.memory_space<semaphore_mem>>
      %dma_start3A_33 = arith.constant 0 : i32
      %dma_start3A_34 = tpu.memref_slice %arg4[%add3A_10, %dma_start3A_33] : memref<16384x256xf32, #tpu.memory_space<hbm>> -> memref<128x256xf32, #tpu.memory_space<hbm>>
      %dma_start3A_35 = arith.constant 0 : i32
      %dma_start3A_36 = tpu.memref_slice %arg4[%add3A_10, %dma_start3A_35] : memref<16384x256xf32, #tpu.memory_space<hbm>> -> memref<128x256xf32, #tpu.memory_space<hbm>>
      tpu.enqueue_dma source(%arg6 : memref<128x256xf32, #tpu.memory_space<vmem>>) target(%dma_start3A_36 : memref<128x256xf32, #tpu.memory_space<hbm>>) target_semaphore(%run_scoped3A : memref<!tpu.dma_semaphore, #tpu.memory_space<semaphore_mem>>)
      %dma_wait3A_37 = arith.constant 0 : i32
      %dma_wait3A_38 = tpu.memref_slice %arg4[%add3A_10, %dma_wait3A_37] : memref<16384x256xf32, #tpu.memory_space<hbm>> -> memref<128x256xf32, #tpu.memory_space<hbm>>
      %dma_wait3A_39 = arith.constant 0 : i32
      %dma_wait3A_40 = tpu.memref_slice %arg4[%add3A_10, %dma_wait3A_39] : memref<16384x256xf32, #tpu.memory_space<hbm>> -> memref<128x256xf32, #tpu.memory_space<hbm>>
      tpu.wait_dma2 semaphore(%run_scoped3A : memref<!tpu.dma_semaphore, #tpu.memory_space<semaphore_mem>>) src(%arg6 : memref<128x256xf32, #tpu.memory_space<vmem>>) dst(%dma_wait3A_40 : memref<128x256xf32, #tpu.memory_space<hbm>>)
      tpu.yield
    }) : () -> ()
    %add3A_17 = arith.constant 256 : i32
    %add3A_18 = arith.addi %mul3A_2, %add3A_17 : i32
    "tpu.region"() ({
      %run_scoped3A = tpu.sem_alloc : memref<!tpu.dma_semaphore, #tpu.memory_space<semaphore_mem>>
      %dma_start3A_33 = tpu.memref_slice %arg3[%add3A_18] : memref<16384xi32, #tpu.memory_space<hbm>> -> memref<128xi32, #tpu.memory_space<hbm>>
      %dma_start3A_34 = tpu.memref_slice %arg3[%add3A_18] : memref<16384xi32, #tpu.memory_space<hbm>> -> memref<128xi32, #tpu.memory_space<hbm>>
      tpu.enqueue_dma source(%dma_start3A_34 : memref<128xi32, #tpu.memory_space<hbm>>) target(%arg5 : memref<128xi32, #tpu.memory_space<vmem>>) target_semaphore(%run_scoped3A : memref<!tpu.dma_semaphore, #tpu.memory_space<semaphore_mem>>)
      %dma_wait3A_35 = tpu.memref_slice %arg3[%add3A_18] : memref<16384xi32, #tpu.memory_space<hbm>> -> memref<128xi32, #tpu.memory_space<hbm>>
      %dma_wait3A_36 = tpu.memref_slice %arg3[%add3A_18] : memref<16384xi32, #tpu.memory_space<hbm>> -> memref<128xi32, #tpu.memory_space<hbm>>
      tpu.wait_dma2 semaphore(%run_scoped3A : memref<!tpu.dma_semaphore, #tpu.memory_space<semaphore_mem>>) src(%dma_wait3A_36 : memref<128xi32, #tpu.memory_space<hbm>>) dst(%arg5 : memref<128xi32, #tpu.memory_space<vmem>>)
      tpu.yield
    }) : () -> ()
    %dma_start3A_19 = arith.constant 0 : i32
    %dma_start3A_20 = arith.constant 0 : i32
    %dma_start3A_21 = tpu.memref_slice %arg2[%dma_start3A_19, %dma_start3A_20] : memref<1024x256xf32, #tpu.memory_space<hbm>> -> memref<1024x256xf32, #tpu.memory_space<hbm>>
    tpu.enqueue_indirect_dma source(%dma_start3A_21 : memref<1024x256xf32, #tpu.memory_space<hbm>>) target(%arg6 : memref<128x256xf32, #tpu.memory_space<vmem>>) offsets(%arg5 : memref<128xi32, #tpu.memory_space<vmem>>) semaphore(%arg7 : memref<!tpu.dma_semaphore, #tpu.memory_space<semaphore_mem>>)
    %dma_wait3A_22 = arith.constant 0 : i32
    %dma_wait3A_23 = arith.constant 0 : i32
    %dma_wait3A_24 = tpu.memref_slice %arg2[%dma_wait3A_22, %dma_wait3A_23] : memref<1024x256xf32, #tpu.memory_space<hbm>> -> memref<1024x256xf32, #tpu.memory_space<hbm>>
    tpu.wait_indirect_dma semaphore(%arg7 : memref<!tpu.dma_semaphore, #tpu.memory_space<semaphore_mem>>) src(%dma_wait3A_24 : memref<1024x256xf32, #tpu.memory_space<hbm>>) dst(%arg6 : memref<128x256xf32, #tpu.memory_space<vmem>>)
    "tpu.region"() ({
      %run_scoped3A = tpu.sem_alloc : memref<!tpu.dma_semaphore, #tpu.memory_space<semaphore_mem>>
      %dma_start3A_33 = arith.constant 0 : i32
      %dma_start3A_34 = tpu.memref_slice %arg4[%add3A_18, %dma_start3A_33] : memref<16384x256xf32, #tpu.memory_space<hbm>> -> memref<128x256xf32, #tpu.memory_space<hbm>>
      %dma_start3A_35 = arith.constant 0 : i32
      %dma_start3A_36 = tpu.memref_slice %arg4[%add3A_18, %dma_start3A_35] : memref<16384x256xf32, #tpu.memory_space<hbm>> -> memref<128x256xf32, #tpu.memory_space<hbm>>
      tpu.enqueue_dma source(%arg6 : memref<128x256xf32, #tpu.memory_space<vmem>>) target(%dma_start3A_36 : memref<128x256xf32, #tpu.memory_space<hbm>>) target_semaphore(%run_scoped3A : memref<!tpu.dma_semaphore, #tpu.memory_space<semaphore_mem>>)
      %dma_wait3A_37 = arith.constant 0 : i32
      %dma_wait3A_38 = tpu.memref_slice %arg4[%add3A_18, %dma_wait3A_37] : memref<16384x256xf32, #tpu.memory_space<hbm>> -> memref<128x256xf32, #tpu.memory_space<hbm>>
      %dma_wait3A_39 = arith.constant 0 : i32
      %dma_wait3A_40 = tpu.memref_slice %arg4[%add3A_18, %dma_wait3A_39] : memref<16384x256xf32, #tpu.memory_space<hbm>> -> memref<128x256xf32, #tpu.memory_space<hbm>>
      tpu.wait_dma2 semaphore(%run_scoped3A : memref<!tpu.dma_semaphore, #tpu.memory_space<semaphore_mem>>) src(%arg6 : memref<128x256xf32, #tpu.memory_space<vmem>>) dst(%dma_wait3A_40 : memref<128x256xf32, #tpu.memory_space<hbm>>)
      tpu.yield
    }) : () -> ()
    %add3A_25 = arith.constant 384 : i32
    %add3A_26 = arith.addi %mul3A_2, %add3A_25 : i32
    "tpu.region"() ({
      %run_scoped3A = tpu.sem_alloc : memref<!tpu.dma_semaphore, #tpu.memory_space<semaphore_mem>>
      %dma_start3A_33 = tpu.memref_slice %arg3[%add3A_26] : memref<16384xi32, #tpu.memory_space<hbm>> -> memref<128xi32, #tpu.memory_space<hbm>>
      %dma_start3A_34 = tpu.memref_slice %arg3[%add3A_26] : memref<16384xi32, #tpu.memory_space<hbm>> -> memref<128xi32, #tpu.memory_space<hbm>>
      tpu.enqueue_dma source(%dma_start3A_34 : memref<128xi32, #tpu.memory_space<hbm>>) target(%arg5 : memref<128xi32, #tpu.memory_space<vmem>>) target_semaphore(%run_scoped3A : memref<!tpu.dma_semaphore, #tpu.memory_space<semaphore_mem>>)
      %dma_wait3A_35 = tpu.memref_slice %arg3[%add3A_26] : memref<16384xi32, #tpu.memory_space<hbm>> -> memref<128xi32, #tpu.memory_space<hbm>>
      %dma_wait3A_36 = tpu.memref_slice %arg3[%add3A_26] : memref<16384xi32, #tpu.memory_space<hbm>> -> memref<128xi32, #tpu.memory_space<hbm>>
      tpu.wait_dma2 semaphore(%run_scoped3A : memref<!tpu.dma_semaphore, #tpu.memory_space<semaphore_mem>>) src(%dma_wait3A_36 : memref<128xi32, #tpu.memory_space<hbm>>) dst(%arg5 : memref<128xi32, #tpu.memory_space<vmem>>)
      tpu.yield
    }) : () -> ()
    %dma_start3A_27 = arith.constant 0 : i32
    %dma_start3A_28 = arith.constant 0 : i32
    %dma_start3A_29 = tpu.memref_slice %arg2[%dma_start3A_27, %dma_start3A_28] : memref<1024x256xf32, #tpu.memory_space<hbm>> -> memref<1024x256xf32, #tpu.memory_space<hbm>>
    tpu.enqueue_indirect_dma source(%dma_start3A_29 : memref<1024x256xf32, #tpu.memory_space<hbm>>) target(%arg6 : memref<128x256xf32, #tpu.memory_space<vmem>>) offsets(%arg5 : memref<128xi32, #tpu.memory_space<vmem>>) semaphore(%arg7 : memref<!tpu.dma_semaphore, #tpu.memory_space<semaphore_mem>>)
    %dma_wait3A_30 = arith.constant 0 : i32
    %dma_wait3A_31 = arith.constant 0 : i32
    %dma_wait3A_32 = tpu.memref_slice %arg2[%dma_wait3A_30, %dma_wait3A_31] : memref<1024x256xf32, #tpu.memory_space<hbm>> -> memref<1024x256xf32, #tpu.memory_space<hbm>>
    tpu.wait_indirect_dma semaphore(%arg7 : memref<!tpu.dma_semaphore, #tpu.memory_space<semaphore_mem>>) src(%dma_wait3A_32 : memref<1024x256xf32, #tpu.memory_space<hbm>>) dst(%arg6 : memref<128x256xf32, #tpu.memory_space<vmem>>)
    "tpu.region"() ({
      %run_scoped3A = tpu.sem_alloc : memref<!tpu.dma_semaphore, #tpu.memory_space<semaphore_mem>>
      %dma_start3A_33 = arith.constant 0 : i32
      %dma_start3A_34 = tpu.memref_slice %arg4[%add3A_26, %dma_start3A_33] : memref<16384x256xf32, #tpu.memory_space<hbm>> -> memref<128x256xf32, #tpu.memory_space<hbm>>
      %dma_start3A_35 = arith.constant 0 : i32
      %dma_start3A_36 = tpu.memref_slice %arg4[%add3A_26, %dma_start3A_35] : memref<16384x256xf32, #tpu.memory_space<hbm>> -> memref<128x256xf32, #tpu.memory_space<hbm>>
      tpu.enqueue_dma source(%arg6 : memref<128x256xf32, #tpu.memory_space<vmem>>) target(%dma_start3A_36 : memref<128x256xf32, #tpu.memory_space<hbm>>) target_semaphore(%run_scoped3A : memref<!tpu.dma_semaphore, #tpu.memory_space<semaphore_mem>>)
      %dma_wait3A_37 = arith.constant 0 : i32
      %dma_wait3A_38 = tpu.memref_slice %arg4[%add3A_26, %dma_wait3A_37] : memref<16384x256xf32, #tpu.memory_space<hbm>> -> memref<128x256xf32, #tpu.memory_space<hbm>>
      %dma_wait3A_39 = arith.constant 0 : i32
      %dma_wait3A_40 = tpu.memref_slice %arg4[%add3A_26, %dma_wait3A_39] : memref<16384x256xf32, #tpu.memory_space<hbm>> -> memref<128x256xf32, #tpu.memory_space<hbm>>
      tpu.wait_dma2 semaphore(%run_scoped3A : memref<!tpu.dma_semaphore, #tpu.memory_space<semaphore_mem>>) src(%arg6 : memref<128x256xf32, #tpu.memory_space<vmem>>) dst(%dma_wait3A_40 : memref<128x256xf32, #tpu.memory_space<hbm>>)
      tpu.yield
    }) : () -> ()
    return
  }
}

module attributes {stable_mosaic.version = 14 : i64} {
  func.func @_body_a(%arg0: i32, %arg1: memref<4x1024x256xf32, #tpu.memory_space<vmem>>, %arg2: memref<4x1024x256xf32, #tpu.memory_space<vmem>>, %arg3: memref<256x256xf32, #tpu.memory_space<vmem>>, %arg4: memref<1x256xf32, #tpu.memory_space<vmem>>, %arg5: memref<256x1024xf32, #tpu.memory_space<vmem>>, %arg6: memref<1024x256xf32, #tpu.memory_space<vmem>>, %arg7: memref<256x256xf32, #tpu.memory_space<vmem>>, %arg8: memref<1x256xf32, #tpu.memory_space<vmem>>, %arg9: memref<4x1024x256xf32, #tpu.memory_space<vmem>>, %arg10: memref<4x1x1024xi32, #tpu.memory_space<vmem>>, %arg11: memref<4x1x128xf32, #tpu.memory_space<vmem>>, %arg12: memref<4x1x128xf32, #tpu.memory_space<vmem>>, %arg13: memref<1024x256xf32, #tpu.memory_space<vmem>>, %arg14: memref<1024x256xf32, #tpu.memory_space<vmem>>, %arg15: memref<256x1024xf32, #tpu.memory_space<vmem>>, %arg16: memref<1x1024xf32, #tpu.memory_space<vmem>>, %arg17: memref<256x256xbf16, #tpu.memory_space<vmem>>) attributes {dimension_semantics = [#tpu.dimension_semantics<arbitrary>], iteration_bounds = array<i64: 4>, scalar_prefetch = 0 : i64, scratch_operands = 4 : i64, tpu.core_type = #tpu.core_type<tc>, window_params = [{transform_indices = @transform_0, window_bounds = array<i64: 4, 1024, 256>}, {transform_indices = @transform_1, window_bounds = array<i64: 4, 1024, 256>}, {pipeline_mode = #tpu.pipeline_mode<synchronous>, transform_indices = @transform_2, window_bounds = array<i64: 256, 256>}, {pipeline_mode = #tpu.pipeline_mode<synchronous>, transform_indices = @transform_3, window_bounds = array<i64: 1, 256>}, {pipeline_mode = #tpu.pipeline_mode<synchronous>, transform_indices = @transform_4, window_bounds = array<i64: 256, 1024>}, {pipeline_mode = #tpu.pipeline_mode<synchronous>, transform_indices = @transform_5, window_bounds = array<i64: 1024, 256>}, {pipeline_mode = #tpu.pipeline_mode<synchronous>, transform_indices = @transform_6, window_bounds = array<i64: 256, 256>}, {pipeline_mode = #tpu.pipeline_mode<synchronous>, transform_indices = @transform_7, window_bounds = array<i64: 1, 256>}, {transform_indices = @transform_8, window_bounds = array<i64: 4, 1024, 256>}, {transform_indices = @transform_9, window_bounds = array<i64: 4, 1, 1024>}, {transform_indices = @transform_10, window_bounds = array<i64: 4, 1, 128>}, {transform_indices = @transform_11, window_bounds = array<i64: 4, 1, 128>}, {pipeline_mode = #tpu.pipeline_mode<synchronous>, transform_indices = @transform_12, window_bounds = array<i64: 1024, 256>}]} {
    %eq3A = arith.constant 0 : i32
    %eq3A_0 = arith.cmpi eq, %arg0, %eq3A : i32
    %convert_element_type3A = arith.extui %eq3A_0 : i1 to i32
    %cond3A = arith.constant 0 : i32
    %cond3A_1 = arith.cmpi ne, %convert_element_type3A, %cond3A : i32
    scf.if %cond3A_1 {
      %get3A_477 = arith.constant 0 : index
      %get3A_478 = arith.constant 0 : index
      %get3A_479 = vector.load %arg6[%get3A_477, %get3A_478] : memref<1024x256xf32, #tpu.memory_space<vmem>>, vector<1024x256xf32>
      %get3A_480 = arith.constant 0 : index
      %get3A_481 = arith.constant 0 : index
      %get3A_482 = vector.load %arg7[%get3A_480, %get3A_481] : memref<256x256xf32, #tpu.memory_space<vmem>>, vector<256x256xf32>
      %dot_general3A_483 = arith.constant dense<0.000000e+00> : vector<1024x256xf32>
      %dot_general3A_484 = tpu.matmul %get3A_479, %get3A_482, %dot_general3A_483 {dimension_numbers = #tpu.dot_dimension_numbers<[1], [0], [0], [1], [0, 0, 1, 1], [], []>, transpose_lhs_hint = false} : vector<1024x256xf32>, vector<256x256xf32>, vector<1024x256xf32> -> vector<1024x256xf32>
      %swap3A_485 = arith.constant 0 : index
      %swap3A_486 = arith.constant 0 : index
      %swap3A_487 = vector.load %arg14[%swap3A_485, %swap3A_486] : memref<1024x256xf32, #tpu.memory_space<vmem>>, vector<1024x256xf32>
      tpu.vector_store %arg14[%swap3A_485, %swap3A_486], %dot_general3A_484 {strides = array<i32>} : memref<1024x256xf32, #tpu.memory_space<vmem>>, vector<1024x256xf32>,
      %get3A_488 = arith.constant 0 : index
      %get3A_489 = arith.constant 0 : index
      %get3A_490 = vector.load %arg14[%get3A_488, %get3A_489] : memref<1024x256xf32, #tpu.memory_space<vmem>>, vector<1024x256xf32>
      %swap3A_491 = arith.constant 0 : index
      %swap3A_492 = arith.constant 0 : index
      %swap3A_493 = vector.load %arg13[%swap3A_491, %swap3A_492] : memref<1024x256xf32, #tpu.memory_space<vmem>>, vector<1024x256xf32>
      tpu.vector_store %arg13[%swap3A_491, %swap3A_492], %get3A_490 {strides = array<i32>} : memref<1024x256xf32, #tpu.memory_space<vmem>>, vector<1024x256xf32>,
      %convert_element_type3A_494 = arith.truncf %get3A_482 : vector<256x256xf32> to vector<256x256xbf16>
      %swap3A_495 = arith.constant 0 : index
      %swap3A_496 = arith.constant 0 : index
      %swap3A_497 = vector.load %arg17[%swap3A_495, %swap3A_496] : memref<256x256xbf16, #tpu.memory_space<vmem>>, vector<256x256xbf16>
      tpu.vector_store %arg17[%swap3A_495, %swap3A_496], %convert_element_type3A_494 {strides = array<i32>} : memref<256x256xbf16, #tpu.memory_space<vmem>>, vector<256x256xbf16>,
      %get3A_498 = arith.constant 0 : index
      %get3A_499 = arith.constant 0 : index
      %get3A_500 = vector.load %arg5[%get3A_498, %get3A_499] : memref<256x1024xf32, #tpu.memory_space<vmem>>, vector<256x1024xf32>
      %mul3A_501 = arith.constant -2.000000e+00 : f32
      %mul3A_502 = vector.broadcast %mul3A_501 : f32 to vector<256x1024xf32>
      %mul3A_503 = arith.mulf %get3A_500, %mul3A_502 : vector<256x1024xf32>
      %swap3A_504 = arith.constant 0 : index
      %swap3A_505 = arith.constant 0 : index
      %swap3A_506 = vector.load %arg15[%swap3A_504, %swap3A_505] : memref<256x1024xf32, #tpu.memory_space<vmem>>, vector<256x1024xf32>
      tpu.vector_store %arg15[%swap3A_504, %swap3A_505], %mul3A_503 {strides = array<i32>} : memref<256x1024xf32, #tpu.memory_space<vmem>>, vector<256x1024xf32>,
      %mul3A_507 = arith.mulf %get3A_500, %get3A_500 : vector<256x1024xf32>
      %reduce_sum3A_508 = arith.constant dense<0.000000e+00> : vector<1024xf32>
      %reduce_sum3A_509 = vector.multi_reduction <add>, %mul3A_507, %reduce_sum3A_508 [0] : vector<256x1024xf32> to vector<1024xf32>
      %broadcast_in_dim3A_510 = vector.shape_cast %reduce_sum3A_509 : vector<1024xf32> to vector<1x1024xf32>
      %swap3A_511 = arith.constant 0 : index
      %swap3A_512 = arith.constant 0 : index
      %swap3A_513 = vector.load %arg16[%swap3A_511, %swap3A_512] : memref<1x1024xf32, #tpu.memory_space<vmem>>, vector<1x1024xf32>
      tpu.vector_store %arg16[%swap3A_511, %swap3A_512], %broadcast_in_dim3A_510 {strides = array<i32>} : memref<1x1024xf32, #tpu.memory_space<vmem>>, vector<1x1024xf32>,
    } else {
    }
    %iota3A = tpu.iota {dimensions = array<i32: 1>} : vector<1024x1024xi32>
    %convert_element_type3A_2 = arith.sitofp %iota3A : vector<1024x1024xi32> to vector<1024x1024xf32>
    %broadcast_in_dim3A = arith.constant 1.000000e+00 : bf16
    %broadcast_in_dim3A_3 = vector.broadcast %broadcast_in_dim3A : bf16 to vector<8x1024xbf16>
    %get3A = arith.constant 0 : index
    %get3A_4 = arith.constant 0 : index
    %get3A_5 = arith.constant 0 : index
    %get3A_6 = vector.load %arg1[%get3A, %get3A_4, %get3A_5] : memref<4x1024x256xf32, #tpu.memory_space<vmem>>, vector<1x1024x256xf32>
    %get3A_7 = vector.shape_cast %get3A_6 : vector<1x1024x256xf32> to vector<1024x256xf32>
    %get3A_8 = arith.constant 0 : index
    %get3A_9 = arith.constant 0 : index
    %get3A_10 = arith.constant 0 : index
    %get3A_11 = vector.load %arg2[%get3A_8, %get3A_9, %get3A_10] : memref<4x1024x256xf32, #tpu.memory_space<vmem>>, vector<1x1024x256xf32>
    %get3A_12 = vector.shape_cast %get3A_11 : vector<1x1024x256xf32> to vector<1024x256xf32>
    %sub3A = arith.subf %get3A_7, %get3A_12 : vector<1024x256xf32>
    %get3A_13 = arith.constant 0 : index
    %get3A_14 = arith.constant 0 : index
    %get3A_15 = vector.load %arg3[%get3A_13, %get3A_14] : memref<256x256xf32, #tpu.memory_space<vmem>>, vector<256x256xf32>
    %dot_general3A = arith.constant dense<0.000000e+00> : vector<1024x256xf32>
    %dot_general3A_16 = tpu.matmul %sub3A, %get3A_15, %dot_general3A {dimension_numbers = #tpu.dot_dimension_numbers<[1], [0], [0], [1], [0, 0, 1, 1], [], []>, transpose_lhs_hint = false} : vector<1024x256xf32>, vector<256x256xf32>, vector<1024x256xf32> -> vector<1024x256xf32>
    %get3A_17 = arith.constant 0 : index
    %get3A_18 = arith.constant 0 : index
    %get3A_19 = vector.load %arg4[%get3A_17, %get3A_18] : memref<1x256xf32, #tpu.memory_space<vmem>>, vector<1x256xf32>
    %add3A = vector.broadcast %get3A_19 : vector<1x256xf32> to vector<1024x256xf32>
    %add3A_20 = arith.addf %dot_general3A_16, %add3A : vector<1024x256xf32>
    %get3A_21 = arith.constant 0 : index
    %get3A_22 = arith.constant 0 : index
    %get3A_23 = vector.load %arg15[%get3A_21, %get3A_22] : memref<256x1024xf32, #tpu.memory_space<vmem>>, vector<256x1024xf32>
    %dot_general3A_24 = arith.constant dense<0.000000e+00> : vector<1024x1024xf32>
    %dot_general3A_25 = tpu.matmul %add3A_20, %get3A_23, %dot_general3A_24 {dimension_numbers = #tpu.dot_dimension_numbers<[1], [0], [0], [1], [0, 0, 1, 1], [], []>, transpose_lhs_hint = false} : vector<1024x256xf32>, vector<256x1024xf32>, vector<1024x1024xf32> -> vector<1024x1024xf32>
    %get3A_26 = arith.constant 0 : index
    %get3A_27 = arith.constant 0 : index
    %get3A_28 = vector.load %arg16[%get3A_26, %get3A_27] : memref<1x1024xf32, #tpu.memory_space<vmem>>, vector<1x1024xf32>
    %add3A_29 = vector.broadcast %get3A_28 : vector<1x1024xf32> to vector<1024x1024xf32>
    %add3A_30 = arith.addf %dot_general3A_25, %add3A_29 : vector<1024x1024xf32>
    %reduce_min3A = arith.constant dense<0x7F800000> : vector<1024xf32>
    %reduce_min3A_31 = vector.multi_reduction <minimumf>, %add3A_30, %reduce_min3A [1] : vector<1024x1024xf32> to vector<1024xf32>
    %broadcast_in_dim3A_32 = vector.shape_cast %reduce_min3A_31 : vector<1024xf32> to vector<1024x1xf32>
    %le3A = vector.broadcast %broadcast_in_dim3A_32 : vector<1024x1xf32> to vector<1024x1024xf32>
    %le3A_33 = arith.cmpf ole, %add3A_30, %le3A : vector<1024x1024xf32>
    %jit3A = arith.constant 1.024000e+03 : f32
    %broadcast_in_dim3A_34 = vector.broadcast %jit3A : f32 to vector<1024x1024xf32>
    %select_n3A = arith.select %le3A_33, %convert_element_type3A_2, %broadcast_in_dim3A_34 : vector<1024x1024xi1>, vector<1024x1024xf32>
    %reduce_min3A_35 = arith.constant dense<0x7F800000> : vector<1024xf32>
    %reduce_min3A_36 = vector.multi_reduction <minimumf>, %select_n3A, %reduce_min3A_35 [1] : vector<1024x1024xf32> to vector<1024xf32>
    %broadcast_in_dim3A_37 = vector.shape_cast %reduce_min3A_36 : vector<1024xf32> to vector<1024x1xf32>
    %eq3A_38 = vector.broadcast %broadcast_in_dim3A_37 : vector<1024x1xf32> to vector<1024x1024xf32>
    %eq3A_39 = arith.cmpf oeq, %convert_element_type3A_2, %eq3A_38 : vector<1024x1024xf32>
    %jit3A_40 = arith.constant 1.000000e+00 : f32
    %jit3A_41 = arith.constant 0.000000e+00 : f32
    %broadcast_in_dim3A_42 = vector.broadcast %jit3A_40 : f32 to vector<1024x1024xf32>
    %broadcast_in_dim3A_43 = vector.broadcast %jit3A_41 : f32 to vector<1024x1024xf32>
    %select_n3A_44 = arith.select %eq3A_39, %broadcast_in_dim3A_42, %broadcast_in_dim3A_43 : vector<1024x1024xi1>, vector<1024x1024xf32>
    %convert_element_type3A_45 = arith.truncf %select_n3A_44 : vector<1024x1024xf32> to vector<1024x1024xbf16>
    %mul3A = arith.mulf %add3A_20, %add3A_20 : vector<1024x256xf32>
    %reduce_sum3A = vector.shape_cast %mul3A : vector<1024x256xf32> to vector<1x1024x256xf32>
    %reduce_sum3A_46 = arith.constant dense<0.000000e+00> : vector<1xf32>
    %reduce_sum3A_47 = vector.multi_reduction <add>, %reduce_sum3A, %reduce_sum3A_46 [1, 2] : vector<1x1024x256xf32> to vector<1xf32>
    %reduce_sum3A_48 = vector.shape_cast %reduce_sum3A_47 : vector<1xf32> to vector<1x1x1xf32>
    %reduce_sum3A_49 = vector.extract %reduce_sum3A_48[0, 0, 0] : f32 from vector<1x1x1xf32>
    %reduce_sum3A_50 = vector.shape_cast %reduce_min3A_31 : vector<1024xf32> to vector<1x1024xf32>
    %reduce_sum3A_51 = arith.constant dense<0.000000e+00> : vector<1xf32>
    %reduce_sum3A_52 = vector.multi_reduction <add>, %reduce_sum3A_50, %reduce_sum3A_51 [1] : vector<1x1024xf32> to vector<1xf32>
    %reduce_sum3A_53 = vector.shape_cast %reduce_sum3A_52 : vector<1xf32> to vector<1x1xf32>
    %reduce_sum3A_54 = vector.extract %reduce_sum3A_53[0, 0] : f32 from vector<1x1xf32>
    %add3A_55 = arith.addf %reduce_sum3A_49, %reduce_sum3A_54 : f32
    %div3A = arith.constant 2.621440e+05 : f32
    %div3A_56 = arith.divf %add3A_55, %div3A : f32
    %dot_general3A_57 = arith.constant dense<0.000000e+00> : vector<8x1024xf32>
    %dot_general3A_58 = tpu.matmul %broadcast_in_dim3A_3, %convert_element_type3A_45, %dot_general3A_57 {dimension_numbers = #tpu.dot_dimension_numbers<[1], [0], [0], [1], [0, 0, 1, 1], [], []>, transpose_lhs_hint = false} : vector<8x1024xbf16>, vector<1024x1024xbf16>, vector<8x1024xf32> -> vector<8x1024xf32>
    %slice3A = vector.extract_strided_slice %dot_general3A_58 {offsets = [0, 0], sizes = [1, 1024], strides = [1, 1]} : vector<8x1024xf32> to vector<1x1024xf32>
    %squeeze3A = vector.shape_cast %slice3A : vector<1x1024xf32> to vector<1024xf32>
    %mul3A_59 = arith.constant 9.765625E-4 : f32
    %mul3A_60 = vector.broadcast %mul3A_59 : f32 to vector<1024xf32>
    %mul3A_61 = arith.mulf %squeeze3A, %mul3A_60 : vector<1024xf32>
    %mul3A_62 = arith.constant 1.024000e+03 : f32
    %mul3A_63 = vector.broadcast %mul3A_62 : f32 to vector<1024xf32>
    %mul3A_64 = arith.mulf %mul3A_61, %mul3A_63 : vector<1024xf32>
    %add3A_65 = arith.constant 1.000000e-10 : f32
    %add3A_66 = vector.broadcast %add3A_65 : f32 to vector<1024xf32>
    %add3A_67 = arith.addf %mul3A_64, %add3A_66 : vector<1024xf32>
    %log3A = math.log %add3A_67 : vector<1024xf32>
    %mul3A_68 = arith.mulf %mul3A_61, %log3A : vector<1024xf32>
    %reduce_sum3A_69 = vector.shape_cast %mul3A_68 : vector<1024xf32> to vector<1x1024xf32>
    %reduce_sum3A_70 = arith.constant dense<0.000000e+00> : vector<1xf32>
    %reduce_sum3A_71 = vector.multi_reduction <add>, %reduce_sum3A_69, %reduce_sum3A_70 [1] : vector<1x1024xf32> to vector<1xf32>
    %reduce_sum3A_72 = vector.shape_cast %reduce_sum3A_71 : vector<1xf32> to vector<1x1xf32>
    %reduce_sum3A_73 = vector.extract %reduce_sum3A_72[0, 0] : f32 from vector<1x1xf32>
    %convert_element_type3A_74 = arith.fptosi %reduce_min3A_36 : vector<1024xf32> to vector<1024xi32>
    %swap3A = arith.constant 0 : index
    %swap3A_75 = arith.constant 0 : index
    %swap3A_76 = arith.constant 0 : index
    %swap3A_77 = vector.load %arg10[%swap3A, %swap3A_75, %swap3A_76] : memref<4x1x1024xi32, #tpu.memory_space<vmem>>, vector<1x1x1024xi32>
    %swap3A_78 = vector.shape_cast %swap3A_77 : vector<1x1x1024xi32> to vector<1024xi32>
    %swap3A_79 = vector.shape_cast %convert_element_type3A_74 : vector<1024xi32> to vector<1x1x1024xi32>
    tpu.vector_store %arg10[%swap3A, %swap3A_75, %swap3A_76], %swap3A_79 {strides = array<i32>} : memref<4x1x1024xi32, #tpu.memory_space<vmem>>, vector<1x1x1024xi32>,
    %broadcast_in_dim3A_80 = vector.broadcast %div3A_56 : f32 to vector<128xf32>
    %swap3A_81 = arith.constant 0 : index
    %swap3A_82 = arith.constant 0 : index
    %swap3A_83 = arith.constant 0 : index
    %swap3A_84 = vector.load %arg11[%swap3A_81, %swap3A_82, %swap3A_83] : memref<4x1x128xf32, #tpu.memory_space<vmem>>, vector<1x1x128xf32>
    %swap3A_85 = vector.shape_cast %swap3A_84 : vector<1x1x128xf32> to vector<128xf32>
    %swap3A_86 = vector.shape_cast %broadcast_in_dim3A_80 : vector<128xf32> to vector<1x1x128xf32>
    tpu.vector_store %arg11[%swap3A_81, %swap3A_82, %swap3A_83], %swap3A_86 {strides = array<i32>} : memref<4x1x128xf32, #tpu.memory_space<vmem>>, vector<1x1x128xf32>,
    %broadcast_in_dim3A_87 = vector.broadcast %reduce_sum3A_73 : f32 to vector<128xf32>
    %swap3A_88 = arith.constant 0 : index
    %swap3A_89 = arith.constant 0 : index
    %swap3A_90 = arith.constant 0 : index
    %swap3A_91 = vector.load %arg12[%swap3A_88, %swap3A_89, %swap3A_90] : memref<4x1x128xf32, #tpu.memory_space<vmem>>, vector<1x1x128xf32>
    %swap3A_92 = vector.shape_cast %swap3A_91 : vector<1x1x128xf32> to vector<128xf32>
    %swap3A_93 = vector.shape_cast %broadcast_in_dim3A_87 : vector<128xf32> to vector<1x1x128xf32>
    tpu.vector_store %arg12[%swap3A_88, %swap3A_89, %swap3A_90], %swap3A_93 {strides = array<i32>} : memref<4x1x128xf32, #tpu.memory_space<vmem>>, vector<1x1x128xf32>,
    %convert_element_type3A_94 = arith.truncf %get3A_12 : vector<1024x256xf32> to vector<1024x256xbf16>
    %get3A_95 = arith.constant 0 : index
    %get3A_96 = arith.constant 0 : index
    %get3A_97 = vector.load %arg17[%get3A_95, %get3A_96] : memref<256x256xbf16, #tpu.memory_space<vmem>>, vector<256x256xbf16>
    %dot_general3A_98 = arith.constant dense<0.000000e+00> : vector<1024x256xf32>
    %dot_general3A_99 = tpu.matmul %convert_element_type3A_94, %get3A_97, %dot_general3A_98 {dimension_numbers = #tpu.dot_dimension_numbers<[1], [0], [0], [1], [0, 0, 1, 1], [], []>, transpose_lhs_hint = false} : vector<1024x256xbf16>, vector<256x256xbf16>, vector<1024x256xf32> -> vector<1024x256xf32>
    %get3A_100 = arith.constant 0 : index
    %get3A_101 = arith.constant 0 : index
    %get3A_102 = vector.load %arg8[%get3A_100, %get3A_101] : memref<1x256xf32, #tpu.memory_space<vmem>>, vector<1x256xf32>
    %add3A_103 = vector.broadcast %get3A_102 : vector<1x256xf32> to vector<1024x256xf32>
    %add3A_104 = arith.addf %dot_general3A_99, %add3A_103 : vector<1024x256xf32>
    %swap3A_105 = arith.constant 0 : index
    %swap3A_106 = arith.constant 0 : index
    %swap3A_107 = arith.constant 0 : index
    %swap3A_108 = vector.load %arg9[%swap3A_105, %swap3A_106, %swap3A_107] : memref<4x1024x256xf32, #tpu.memory_space<vmem>>, vector<1x1024x256xf32>
    %swap3A_109 = vector.shape_cast %swap3A_108 : vector<1x1024x256xf32> to vector<1024x256xf32>
    %swap3A_110 = vector.shape_cast %add3A_104 : vector<1024x256xf32> to vector<1x1024x256xf32>
    tpu.vector_store %arg9[%swap3A_105, %swap3A_106, %swap3A_107], %swap3A_110 {strides = array<i32>} : memref<4x1024x256xf32, #tpu.memory_space<vmem>>, vector<1x1024x256xf32>,
    %get3A_111 = arith.constant 1 : index
    %get3A_112 = arith.constant 0 : index
    %get3A_113 = arith.constant 0 : index
    %get3A_114 = vector.load %arg1[%get3A_111, %get3A_112, %get3A_113] : memref<4x1024x256xf32, #tpu.memory_space<vmem>>, vector<1x1024x256xf32>
    %get3A_115 = vector.shape_cast %get3A_114 : vector<1x1024x256xf32> to vector<1024x256xf32>
    %get3A_116 = arith.constant 1 : index
    %get3A_117 = arith.constant 0 : index
    %get3A_118 = arith.constant 0 : index
    %get3A_119 = vector.load %arg2[%get3A_116, %get3A_117, %get3A_118] : memref<4x1024x256xf32, #tpu.memory_space<vmem>>, vector<1x1024x256xf32>
    %get3A_120 = vector.shape_cast %get3A_119 : vector<1x1024x256xf32> to vector<1024x256xf32>
    %sub3A_121 = arith.subf %get3A_115, %get3A_120 : vector<1024x256xf32>
    %get3A_122 = arith.constant 0 : index
    %get3A_123 = arith.constant 0 : index
    %get3A_124 = vector.load %arg3[%get3A_122, %get3A_123] : memref<256x256xf32, #tpu.memory_space<vmem>>, vector<256x256xf32>
    %dot_general3A_125 = arith.constant dense<0.000000e+00> : vector<1024x256xf32>
    %dot_general3A_126 = tpu.matmul %sub3A_121, %get3A_124, %dot_general3A_125 {dimension_numbers = #tpu.dot_dimension_numbers<[1], [0], [0], [1], [0, 0, 1, 1], [], []>, transpose_lhs_hint = false} : vector<1024x256xf32>, vector<256x256xf32>, vector<1024x256xf32> -> vector<1024x256xf32>
    %get3A_127 = arith.constant 0 : index
    %get3A_128 = arith.constant 0 : index
    %get3A_129 = vector.load %arg4[%get3A_127, %get3A_128] : memref<1x256xf32, #tpu.memory_space<vmem>>, vector<1x256xf32>
    %add3A_130 = vector.broadcast %get3A_129 : vector<1x256xf32> to vector<1024x256xf32>
    %add3A_131 = arith.addf %dot_general3A_126, %add3A_130 : vector<1024x256xf32>
    %get3A_132 = arith.constant 0 : index
    %get3A_133 = arith.constant 0 : index
    %get3A_134 = vector.load %arg15[%get3A_132, %get3A_133] : memref<256x1024xf32, #tpu.memory_space<vmem>>, vector<256x1024xf32>
    %dot_general3A_135 = arith.constant dense<0.000000e+00> : vector<1024x1024xf32>
    %dot_general3A_136 = tpu.matmul %add3A_131, %get3A_134, %dot_general3A_135 {dimension_numbers = #tpu.dot_dimension_numbers<[1], [0], [0], [1], [0, 0, 1, 1], [], []>, transpose_lhs_hint = false} : vector<1024x256xf32>, vector<256x1024xf32>, vector<1024x1024xf32> -> vector<1024x1024xf32>
    %get3A_137 = arith.constant 0 : index
    %get3A_138 = arith.constant 0 : index
    %get3A_139 = vector.load %arg16[%get3A_137, %get3A_138] : memref<1x1024xf32, #tpu.memory_space<vmem>>, vector<1x1024xf32>
    %add3A_140 = vector.broadcast %get3A_139 : vector<1x1024xf32> to vector<1024x1024xf32>
    %add3A_141 = arith.addf %dot_general3A_136, %add3A_140 : vector<1024x1024xf32>
    %reduce_min3A_142 = arith.constant dense<0x7F800000> : vector<1024xf32>
    %reduce_min3A_143 = vector.multi_reduction <minimumf>, %add3A_141, %reduce_min3A_142 [1] : vector<1024x1024xf32> to vector<1024xf32>
    %broadcast_in_dim3A_144 = vector.shape_cast %reduce_min3A_143 : vector<1024xf32> to vector<1024x1xf32>
    %le3A_145 = vector.broadcast %broadcast_in_dim3A_144 : vector<1024x1xf32> to vector<1024x1024xf32>
    %le3A_146 = arith.cmpf ole, %add3A_141, %le3A_145 : vector<1024x1024xf32>
    %jit3A_147 = arith.constant 1.024000e+03 : f32
    %broadcast_in_dim3A_148 = vector.broadcast %jit3A_147 : f32 to vector<1024x1024xf32>
    %select_n3A_149 = arith.select %le3A_146, %convert_element_type3A_2, %broadcast_in_dim3A_148 : vector<1024x1024xi1>, vector<1024x1024xf32>
    %reduce_min3A_150 = arith.constant dense<0x7F800000> : vector<1024xf32>
    %reduce_min3A_151 = vector.multi_reduction <minimumf>, %select_n3A_149, %reduce_min3A_150 [1] : vector<1024x1024xf32> to vector<1024xf32>
    %broadcast_in_dim3A_152 = vector.shape_cast %reduce_min3A_151 : vector<1024xf32> to vector<1024x1xf32>
    %eq3A_153 = vector.broadcast %broadcast_in_dim3A_152 : vector<1024x1xf32> to vector<1024x1024xf32>
    %eq3A_154 = arith.cmpf oeq, %convert_element_type3A_2, %eq3A_153 : vector<1024x1024xf32>
    %jit3A_155 = arith.constant 1.000000e+00 : f32
    %jit3A_156 = arith.constant 0.000000e+00 : f32
    %broadcast_in_dim3A_157 = vector.broadcast %jit3A_155 : f32 to vector<1024x1024xf32>
    %broadcast_in_dim3A_158 = vector.broadcast %jit3A_156 : f32 to vector<1024x1024xf32>
    %select_n3A_159 = arith.select %eq3A_154, %broadcast_in_dim3A_157, %broadcast_in_dim3A_158 : vector<1024x1024xi1>, vector<1024x1024xf32>
    %convert_element_type3A_160 = arith.truncf %select_n3A_159 : vector<1024x1024xf32> to vector<1024x1024xbf16>
    %mul3A_161 = arith.mulf %add3A_131, %add3A_131 : vector<1024x256xf32>
    %reduce_sum3A_162 = vector.shape_cast %mul3A_161 : vector<1024x256xf32> to vector<1x1024x256xf32>
    %reduce_sum3A_163 = arith.constant dense<0.000000e+00> : vector<1xf32>
    %reduce_sum3A_164 = vector.multi_reduction <add>, %reduce_sum3A_162, %reduce_sum3A_163 [1, 2] : vector<1x1024x256xf32> to vector<1xf32>
    %reduce_sum3A_165 = vector.shape_cast %reduce_sum3A_164 : vector<1xf32> to vector<1x1x1xf32>
    %reduce_sum3A_166 = vector.extract %reduce_sum3A_165[0, 0, 0] : f32 from vector<1x1x1xf32>
    %reduce_sum3A_167 = vector.shape_cast %reduce_min3A_143 : vector<1024xf32> to vector<1x1024xf32>
    %reduce_sum3A_168 = arith.constant dense<0.000000e+00> : vector<1xf32>
    %reduce_sum3A_169 = vector.multi_reduction <add>, %reduce_sum3A_167, %reduce_sum3A_168 [1] : vector<1x1024xf32> to vector<1xf32>
    %reduce_sum3A_170 = vector.shape_cast %reduce_sum3A_169 : vector<1xf32> to vector<1x1xf32>
    %reduce_sum3A_171 = vector.extract %reduce_sum3A_170[0, 0] : f32 from vector<1x1xf32>
    %add3A_172 = arith.addf %reduce_sum3A_166, %reduce_sum3A_171 : f32
    %div3A_173 = arith.constant 2.621440e+05 : f32
    %div3A_174 = arith.divf %add3A_172, %div3A_173 : f32
    %dot_general3A_175 = arith.constant dense<0.000000e+00> : vector<8x1024xf32>
    %dot_general3A_176 = tpu.matmul %broadcast_in_dim3A_3, %convert_element_type3A_160, %dot_general3A_175 {dimension_numbers = #tpu.dot_dimension_numbers<[1], [0], [0], [1], [0, 0, 1, 1], [], []>, transpose_lhs_hint = false} : vector<8x1024xbf16>, vector<1024x1024xbf16>, vector<8x1024xf32> -> vector<8x1024xf32>
    %slice3A_177 = vector.extract_strided_slice %dot_general3A_176 {offsets = [0, 0], sizes = [1, 1024], strides = [1, 1]} : vector<8x1024xf32> to vector<1x1024xf32>
    %squeeze3A_178 = vector.shape_cast %slice3A_177 : vector<1x1024xf32> to vector<1024xf32>
    %mul3A_179 = arith.constant 9.765625E-4 : f32
    %mul3A_180 = vector.broadcast %mul3A_179 : f32 to vector<1024xf32>
    %mul3A_181 = arith.mulf %squeeze3A_178, %mul3A_180 : vector<1024xf32>
    %mul3A_182 = arith.constant 1.024000e+03 : f32
    %mul3A_183 = vector.broadcast %mul3A_182 : f32 to vector<1024xf32>
    %mul3A_184 = arith.mulf %mul3A_181, %mul3A_183 : vector<1024xf32>
    %add3A_185 = arith.constant 1.000000e-10 : f32
    %add3A_186 = vector.broadcast %add3A_185 : f32 to vector<1024xf32>
    %add3A_187 = arith.addf %mul3A_184, %add3A_186 : vector<1024xf32>
    %log3A_188 = math.log %add3A_187 : vector<1024xf32>
    %mul3A_189 = arith.mulf %mul3A_181, %log3A_188 : vector<1024xf32>
    %reduce_sum3A_190 = vector.shape_cast %mul3A_189 : vector<1024xf32> to vector<1x1024xf32>
    %reduce_sum3A_191 = arith.constant dense<0.000000e+00> : vector<1xf32>
    %reduce_sum3A_192 = vector.multi_reduction <add>, %reduce_sum3A_190, %reduce_sum3A_191 [1] : vector<1x1024xf32> to vector<1xf32>
    %reduce_sum3A_193 = vector.shape_cast %reduce_sum3A_192 : vector<1xf32> to vector<1x1xf32>
    %reduce_sum3A_194 = vector.extract %reduce_sum3A_193[0, 0] : f32 from vector<1x1xf32>
    %convert_element_type3A_195 = arith.fptosi %reduce_min3A_151 : vector<1024xf32> to vector<1024xi32>
    %swap3A_196 = arith.constant 1 : index
    %swap3A_197 = arith.constant 0 : index
    %swap3A_198 = arith.constant 0 : index
    %swap3A_199 = vector.load %arg10[%swap3A_196, %swap3A_197, %swap3A_198] : memref<4x1x1024xi32, #tpu.memory_space<vmem>>, vector<1x1x1024xi32>
    %swap3A_200 = vector.shape_cast %swap3A_199 : vector<1x1x1024xi32> to vector<1024xi32>
    %swap3A_201 = vector.shape_cast %convert_element_type3A_195 : vector<1024xi32> to vector<1x1x1024xi32>
    tpu.vector_store %arg10[%swap3A_196, %swap3A_197, %swap3A_198], %swap3A_201 {strides = array<i32>} : memref<4x1x1024xi32, #tpu.memory_space<vmem>>, vector<1x1x1024xi32>,
    %broadcast_in_dim3A_202 = vector.broadcast %div3A_174 : f32 to vector<128xf32>
    %swap3A_203 = arith.constant 1 : index
    %swap3A_204 = arith.constant 0 : index
    %swap3A_205 = arith.constant 0 : index
    %swap3A_206 = vector.load %arg11[%swap3A_203, %swap3A_204, %swap3A_205] : memref<4x1x128xf32, #tpu.memory_space<vmem>>, vector<1x1x128xf32>
    %swap3A_207 = vector.shape_cast %swap3A_206 : vector<1x1x128xf32> to vector<128xf32>
    %swap3A_208 = vector.shape_cast %broadcast_in_dim3A_202 : vector<128xf32> to vector<1x1x128xf32>
    tpu.vector_store %arg11[%swap3A_203, %swap3A_204, %swap3A_205], %swap3A_208 {strides = array<i32>} : memref<4x1x128xf32, #tpu.memory_space<vmem>>, vector<1x1x128xf32>,
    %broadcast_in_dim3A_209 = vector.broadcast %reduce_sum3A_194 : f32 to vector<128xf32>
    %swap3A_210 = arith.constant 1 : index
    %swap3A_211 = arith.constant 0 : index
    %swap3A_212 = arith.constant 0 : index
    %swap3A_213 = vector.load %arg12[%swap3A_210, %swap3A_211, %swap3A_212] : memref<4x1x128xf32, #tpu.memory_space<vmem>>, vector<1x1x128xf32>
    %swap3A_214 = vector.shape_cast %swap3A_213 : vector<1x1x128xf32> to vector<128xf32>
    %swap3A_215 = vector.shape_cast %broadcast_in_dim3A_209 : vector<128xf32> to vector<1x1x128xf32>
    tpu.vector_store %arg12[%swap3A_210, %swap3A_211, %swap3A_212], %swap3A_215 {strides = array<i32>} : memref<4x1x128xf32, #tpu.memory_space<vmem>>, vector<1x1x128xf32>,
    %convert_element_type3A_216 = arith.truncf %get3A_120 : vector<1024x256xf32> to vector<1024x256xbf16>
    %get3A_217 = arith.constant 0 : index
    %get3A_218 = arith.constant 0 : index
    %get3A_219 = vector.load %arg17[%get3A_217, %get3A_218] : memref<256x256xbf16, #tpu.memory_space<vmem>>, vector<256x256xbf16>
    %dot_general3A_220 = arith.constant dense<0.000000e+00> : vector<1024x256xf32>
    %dot_general3A_221 = tpu.matmul %convert_element_type3A_216, %get3A_219, %dot_general3A_220 {dimension_numbers = #tpu.dot_dimension_numbers<[1], [0], [0], [1], [0, 0, 1, 1], [], []>, transpose_lhs_hint = false} : vector<1024x256xbf16>, vector<256x256xbf16>, vector<1024x256xf32> -> vector<1024x256xf32>
    %get3A_222 = arith.constant 0 : index
    %get3A_223 = arith.constant 0 : index
    %get3A_224 = vector.load %arg8[%get3A_222, %get3A_223] : memref<1x256xf32, #tpu.memory_space<vmem>>, vector<1x256xf32>
    %add3A_225 = vector.broadcast %get3A_224 : vector<1x256xf32> to vector<1024x256xf32>
    %add3A_226 = arith.addf %dot_general3A_221, %add3A_225 : vector<1024x256xf32>
    %swap3A_227 = arith.constant 1 : index
    %swap3A_228 = arith.constant 0 : index
    %swap3A_229 = arith.constant 0 : index
    %swap3A_230 = vector.load %arg9[%swap3A_227, %swap3A_228, %swap3A_229] : memref<4x1024x256xf32, #tpu.memory_space<vmem>>, vector<1x1024x256xf32>
    %swap3A_231 = vector.shape_cast %swap3A_230 : vector<1x1024x256xf32> to vector<1024x256xf32>
    %swap3A_232 = vector.shape_cast %add3A_226 : vector<1024x256xf32> to vector<1x1024x256xf32>
    tpu.vector_store %arg9[%swap3A_227, %swap3A_228, %swap3A_229], %swap3A_232 {strides = array<i32>} : memref<4x1024x256xf32, #tpu.memory_space<vmem>>, vector<1x1024x256xf32>,
    %get3A_233 = arith.constant 2 : index
    %get3A_234 = arith.constant 0 : index
    %get3A_235 = arith.constant 0 : index
    %get3A_236 = vector.load %arg1[%get3A_233, %get3A_234, %get3A_235] : memref<4x1024x256xf32, #tpu.memory_space<vmem>>, vector<1x1024x256xf32>
    %get3A_237 = vector.shape_cast %get3A_236 : vector<1x1024x256xf32> to vector<1024x256xf32>
    %get3A_238 = arith.constant 2 : index
    %get3A_239 = arith.constant 0 : index
    %get3A_240 = arith.constant 0 : index
    %get3A_241 = vector.load %arg2[%get3A_238, %get3A_239, %get3A_240] : memref<4x1024x256xf32, #tpu.memory_space<vmem>>, vector<1x1024x256xf32>
    %get3A_242 = vector.shape_cast %get3A_241 : vector<1x1024x256xf32> to vector<1024x256xf32>
    %sub3A_243 = arith.subf %get3A_237, %get3A_242 : vector<1024x256xf32>
    %get3A_244 = arith.constant 0 : index
    %get3A_245 = arith.constant 0 : index
    %get3A_246 = vector.load %arg3[%get3A_244, %get3A_245] : memref<256x256xf32, #tpu.memory_space<vmem>>, vector<256x256xf32>
    %dot_general3A_247 = arith.constant dense<0.000000e+00> : vector<1024x256xf32>
    %dot_general3A_248 = tpu.matmul %sub3A_243, %get3A_246, %dot_general3A_247 {dimension_numbers = #tpu.dot_dimension_numbers<[1], [0], [0], [1], [0, 0, 1, 1], [], []>, transpose_lhs_hint = false} : vector<1024x256xf32>, vector<256x256xf32>, vector<1024x256xf32> -> vector<1024x256xf32>
    %get3A_249 = arith.constant 0 : index
    %get3A_250 = arith.constant 0 : index
    %get3A_251 = vector.load %arg4[%get3A_249, %get3A_250] : memref<1x256xf32, #tpu.memory_space<vmem>>, vector<1x256xf32>
    %add3A_252 = vector.broadcast %get3A_251 : vector<1x256xf32> to vector<1024x256xf32>
    %add3A_253 = arith.addf %dot_general3A_248, %add3A_252 : vector<1024x256xf32>
    %get3A_254 = arith.constant 0 : index
    %get3A_255 = arith.constant 0 : index
    %get3A_256 = vector.load %arg15[%get3A_254, %get3A_255] : memref<256x1024xf32, #tpu.memory_space<vmem>>, vector<256x1024xf32>
    %dot_general3A_257 = arith.constant dense<0.000000e+00> : vector<1024x1024xf32>
    %dot_general3A_258 = tpu.matmul %add3A_253, %get3A_256, %dot_general3A_257 {dimension_numbers = #tpu.dot_dimension_numbers<[1], [0], [0], [1], [0, 0, 1, 1], [], []>, transpose_lhs_hint = false} : vector<1024x256xf32>, vector<256x1024xf32>, vector<1024x1024xf32> -> vector<1024x1024xf32>
    %get3A_259 = arith.constant 0 : index
    %get3A_260 = arith.constant 0 : index
    %get3A_261 = vector.load %arg16[%get3A_259, %get3A_260] : memref<1x1024xf32, #tpu.memory_space<vmem>>, vector<1x1024xf32>
    %add3A_262 = vector.broadcast %get3A_261 : vector<1x1024xf32> to vector<1024x1024xf32>
    %add3A_263 = arith.addf %dot_general3A_258, %add3A_262 : vector<1024x1024xf32>
    %reduce_min3A_264 = arith.constant dense<0x7F800000> : vector<1024xf32>
    %reduce_min3A_265 = vector.multi_reduction <minimumf>, %add3A_263, %reduce_min3A_264 [1] : vector<1024x1024xf32> to vector<1024xf32>
    %broadcast_in_dim3A_266 = vector.shape_cast %reduce_min3A_265 : vector<1024xf32> to vector<1024x1xf32>
    %le3A_267 = vector.broadcast %broadcast_in_dim3A_266 : vector<1024x1xf32> to vector<1024x1024xf32>
    %le3A_268 = arith.cmpf ole, %add3A_263, %le3A_267 : vector<1024x1024xf32>
    %jit3A_269 = arith.constant 1.024000e+03 : f32
    %broadcast_in_dim3A_270 = vector.broadcast %jit3A_269 : f32 to vector<1024x1024xf32>
    %select_n3A_271 = arith.select %le3A_268, %convert_element_type3A_2, %broadcast_in_dim3A_270 : vector<1024x1024xi1>, vector<1024x1024xf32>
    %reduce_min3A_272 = arith.constant dense<0x7F800000> : vector<1024xf32>
    %reduce_min3A_273 = vector.multi_reduction <minimumf>, %select_n3A_271, %reduce_min3A_272 [1] : vector<1024x1024xf32> to vector<1024xf32>
    %broadcast_in_dim3A_274 = vector.shape_cast %reduce_min3A_273 : vector<1024xf32> to vector<1024x1xf32>
    %eq3A_275 = vector.broadcast %broadcast_in_dim3A_274 : vector<1024x1xf32> to vector<1024x1024xf32>
    %eq3A_276 = arith.cmpf oeq, %convert_element_type3A_2, %eq3A_275 : vector<1024x1024xf32>
    %jit3A_277 = arith.constant 1.000000e+00 : f32
    %jit3A_278 = arith.constant 0.000000e+00 : f32
    %broadcast_in_dim3A_279 = vector.broadcast %jit3A_277 : f32 to vector<1024x1024xf32>
    %broadcast_in_dim3A_280 = vector.broadcast %jit3A_278 : f32 to vector<1024x1024xf32>
    %select_n3A_281 = arith.select %eq3A_276, %broadcast_in_dim3A_279, %broadcast_in_dim3A_280 : vector<1024x1024xi1>, vector<1024x1024xf32>
    %convert_element_type3A_282 = arith.truncf %select_n3A_281 : vector<1024x1024xf32> to vector<1024x1024xbf16>
    %mul3A_283 = arith.mulf %add3A_253, %add3A_253 : vector<1024x256xf32>
    %reduce_sum3A_284 = vector.shape_cast %mul3A_283 : vector<1024x256xf32> to vector<1x1024x256xf32>
    %reduce_sum3A_285 = arith.constant dense<0.000000e+00> : vector<1xf32>
    %reduce_sum3A_286 = vector.multi_reduction <add>, %reduce_sum3A_284, %reduce_sum3A_285 [1, 2] : vector<1x1024x256xf32> to vector<1xf32>
    %reduce_sum3A_287 = vector.shape_cast %reduce_sum3A_286 : vector<1xf32> to vector<1x1x1xf32>
    %reduce_sum3A_288 = vector.extract %reduce_sum3A_287[0, 0, 0] : f32 from vector<1x1x1xf32>
    %reduce_sum3A_289 = vector.shape_cast %reduce_min3A_265 : vector<1024xf32> to vector<1x1024xf32>
    %reduce_sum3A_290 = arith.constant dense<0.000000e+00> : vector<1xf32>
    %reduce_sum3A_291 = vector.multi_reduction <add>, %reduce_sum3A_289, %reduce_sum3A_290 [1] : vector<1x1024xf32> to vector<1xf32>
    %reduce_sum3A_292 = vector.shape_cast %reduce_sum3A_291 : vector<1xf32> to vector<1x1xf32>
    %reduce_sum3A_293 = vector.extract %reduce_sum3A_292[0, 0] : f32 from vector<1x1xf32>
    %add3A_294 = arith.addf %reduce_sum3A_288, %reduce_sum3A_293 : f32
    %div3A_295 = arith.constant 2.621440e+05 : f32
    %div3A_296 = arith.divf %add3A_294, %div3A_295 : f32
    %dot_general3A_297 = arith.constant dense<0.000000e+00> : vector<8x1024xf32>
    %dot_general3A_298 = tpu.matmul %broadcast_in_dim3A_3, %convert_element_type3A_282, %dot_general3A_297 {dimension_numbers = #tpu.dot_dimension_numbers<[1], [0], [0], [1], [0, 0, 1, 1], [], []>, transpose_lhs_hint = false} : vector<8x1024xbf16>, vector<1024x1024xbf16>, vector<8x1024xf32> -> vector<8x1024xf32>
    %slice3A_299 = vector.extract_strided_slice %dot_general3A_298 {offsets = [0, 0], sizes = [1, 1024], strides = [1, 1]} : vector<8x1024xf32> to vector<1x1024xf32>
    %squeeze3A_300 = vector.shape_cast %slice3A_299 : vector<1x1024xf32> to vector<1024xf32>
    %mul3A_301 = arith.constant 9.765625E-4 : f32
    %mul3A_302 = vector.broadcast %mul3A_301 : f32 to vector<1024xf32>
    %mul3A_303 = arith.mulf %squeeze3A_300, %mul3A_302 : vector<1024xf32>
    %mul3A_304 = arith.constant 1.024000e+03 : f32
    %mul3A_305 = vector.broadcast %mul3A_304 : f32 to vector<1024xf32>
    %mul3A_306 = arith.mulf %mul3A_303, %mul3A_305 : vector<1024xf32>
    %add3A_307 = arith.constant 1.000000e-10 : f32
    %add3A_308 = vector.broadcast %add3A_307 : f32 to vector<1024xf32>
    %add3A_309 = arith.addf %mul3A_306, %add3A_308 : vector<1024xf32>
    %log3A_310 = math.log %add3A_309 : vector<1024xf32>
    %mul3A_311 = arith.mulf %mul3A_303, %log3A_310 : vector<1024xf32>
    %reduce_sum3A_312 = vector.shape_cast %mul3A_311 : vector<1024xf32> to vector<1x1024xf32>
    %reduce_sum3A_313 = arith.constant dense<0.000000e+00> : vector<1xf32>
    %reduce_sum3A_314 = vector.multi_reduction <add>, %reduce_sum3A_312, %reduce_sum3A_313 [1] : vector<1x1024xf32> to vector<1xf32>
    %reduce_sum3A_315 = vector.shape_cast %reduce_sum3A_314 : vector<1xf32> to vector<1x1xf32>
    %reduce_sum3A_316 = vector.extract %reduce_sum3A_315[0, 0] : f32 from vector<1x1xf32>
    %convert_element_type3A_317 = arith.fptosi %reduce_min3A_273 : vector<1024xf32> to vector<1024xi32>
    %swap3A_318 = arith.constant 2 : index
    %swap3A_319 = arith.constant 0 : index
    %swap3A_320 = arith.constant 0 : index
    %swap3A_321 = vector.load %arg10[%swap3A_318, %swap3A_319, %swap3A_320] : memref<4x1x1024xi32, #tpu.memory_space<vmem>>, vector<1x1x1024xi32>
    %swap3A_322 = vector.shape_cast %swap3A_321 : vector<1x1x1024xi32> to vector<1024xi32>
    %swap3A_323 = vector.shape_cast %convert_element_type3A_317 : vector<1024xi32> to vector<1x1x1024xi32>
    tpu.vector_store %arg10[%swap3A_318, %swap3A_319, %swap3A_320], %swap3A_323 {strides = array<i32>} : memref<4x1x1024xi32, #tpu.memory_space<vmem>>, vector<1x1x1024xi32>,
    %broadcast_in_dim3A_324 = vector.broadcast %div3A_296 : f32 to vector<128xf32>
    %swap3A_325 = arith.constant 2 : index
    %swap3A_326 = arith.constant 0 : index
    %swap3A_327 = arith.constant 0 : index
    %swap3A_328 = vector.load %arg11[%swap3A_325, %swap3A_326, %swap3A_327] : memref<4x1x128xf32, #tpu.memory_space<vmem>>, vector<1x1x128xf32>
    %swap3A_329 = vector.shape_cast %swap3A_328 : vector<1x1x128xf32> to vector<128xf32>
    %swap3A_330 = vector.shape_cast %broadcast_in_dim3A_324 : vector<128xf32> to vector<1x1x128xf32>
    tpu.vector_store %arg11[%swap3A_325, %swap3A_326, %swap3A_327], %swap3A_330 {strides = array<i32>} : memref<4x1x128xf32, #tpu.memory_space<vmem>>, vector<1x1x128xf32>,
    %broadcast_in_dim3A_331 = vector.broadcast %reduce_sum3A_316 : f32 to vector<128xf32>
    %swap3A_332 = arith.constant 2 : index
    %swap3A_333 = arith.constant 0 : index
    %swap3A_334 = arith.constant 0 : index
    %swap3A_335 = vector.load %arg12[%swap3A_332, %swap3A_333, %swap3A_334] : memref<4x1x128xf32, #tpu.memory_space<vmem>>, vector<1x1x128xf32>
    %swap3A_336 = vector.shape_cast %swap3A_335 : vector<1x1x128xf32> to vector<128xf32>
    %swap3A_337 = vector.shape_cast %broadcast_in_dim3A_331 : vector<128xf32> to vector<1x1x128xf32>
    tpu.vector_store %arg12[%swap3A_332, %swap3A_333, %swap3A_334], %swap3A_337 {strides = array<i32>} : memref<4x1x128xf32, #tpu.memory_space<vmem>>, vector<1x1x128xf32>,
    %convert_element_type3A_338 = arith.truncf %get3A_242 : vector<1024x256xf32> to vector<1024x256xbf16>
    %get3A_339 = arith.constant 0 : index
    %get3A_340 = arith.constant 0 : index
    %get3A_341 = vector.load %arg17[%get3A_339, %get3A_340] : memref<256x256xbf16, #tpu.memory_space<vmem>>, vector<256x256xbf16>
    %dot_general3A_342 = arith.constant dense<0.000000e+00> : vector<1024x256xf32>
    %dot_general3A_343 = tpu.matmul %convert_element_type3A_338, %get3A_341, %dot_general3A_342 {dimension_numbers = #tpu.dot_dimension_numbers<[1], [0], [0], [1], [0, 0, 1, 1], [], []>, transpose_lhs_hint = false} : vector<1024x256xbf16>, vector<256x256xbf16>, vector<1024x256xf32> -> vector<1024x256xf32>
    %get3A_344 = arith.constant 0 : index
    %get3A_345 = arith.constant 0 : index
    %get3A_346 = vector.load %arg8[%get3A_344, %get3A_345] : memref<1x256xf32, #tpu.memory_space<vmem>>, vector<1x256xf32>
    %add3A_347 = vector.broadcast %get3A_346 : vector<1x256xf32> to vector<1024x256xf32>
    %add3A_348 = arith.addf %dot_general3A_343, %add3A_347 : vector<1024x256xf32>
    %swap3A_349 = arith.constant 2 : index
    %swap3A_350 = arith.constant 0 : index
    %swap3A_351 = arith.constant 0 : index
    %swap3A_352 = vector.load %arg9[%swap3A_349, %swap3A_350, %swap3A_351] : memref<4x1024x256xf32, #tpu.memory_space<vmem>>, vector<1x1024x256xf32>
    %swap3A_353 = vector.shape_cast %swap3A_352 : vector<1x1024x256xf32> to vector<1024x256xf32>
    %swap3A_354 = vector.shape_cast %add3A_348 : vector<1024x256xf32> to vector<1x1024x256xf32>
    tpu.vector_store %arg9[%swap3A_349, %swap3A_350, %swap3A_351], %swap3A_354 {strides = array<i32>} : memref<4x1024x256xf32, #tpu.memory_space<vmem>>, vector<1x1024x256xf32>,
    %get3A_355 = arith.constant 3 : index
    %get3A_356 = arith.constant 0 : index
    %get3A_357 = arith.constant 0 : index
    %get3A_358 = vector.load %arg1[%get3A_355, %get3A_356, %get3A_357] : memref<4x1024x256xf32, #tpu.memory_space<vmem>>, vector<1x1024x256xf32>
    %get3A_359 = vector.shape_cast %get3A_358 : vector<1x1024x256xf32> to vector<1024x256xf32>
    %get3A_360 = arith.constant 3 : index
    %get3A_361 = arith.constant 0 : index
    %get3A_362 = arith.constant 0 : index
    %get3A_363 = vector.load %arg2[%get3A_360, %get3A_361, %get3A_362] : memref<4x1024x256xf32, #tpu.memory_space<vmem>>, vector<1x1024x256xf32>
    %get3A_364 = vector.shape_cast %get3A_363 : vector<1x1024x256xf32> to vector<1024x256xf32>
    %sub3A_365 = arith.subf %get3A_359, %get3A_364 : vector<1024x256xf32>
    %get3A_366 = arith.constant 0 : index
    %get3A_367 = arith.constant 0 : index
    %get3A_368 = vector.load %arg3[%get3A_366, %get3A_367] : memref<256x256xf32, #tpu.memory_space<vmem>>, vector<256x256xf32>
    %dot_general3A_369 = arith.constant dense<0.000000e+00> : vector<1024x256xf32>
    %dot_general3A_370 = tpu.matmul %sub3A_365, %get3A_368, %dot_general3A_369 {dimension_numbers = #tpu.dot_dimension_numbers<[1], [0], [0], [1], [0, 0, 1, 1], [], []>, transpose_lhs_hint = false} : vector<1024x256xf32>, vector<256x256xf32>, vector<1024x256xf32> -> vector<1024x256xf32>
    %get3A_371 = arith.constant 0 : index
    %get3A_372 = arith.constant 0 : index
    %get3A_373 = vector.load %arg4[%get3A_371, %get3A_372] : memref<1x256xf32, #tpu.memory_space<vmem>>, vector<1x256xf32>
    %add3A_374 = vector.broadcast %get3A_373 : vector<1x256xf32> to vector<1024x256xf32>
    %add3A_375 = arith.addf %dot_general3A_370, %add3A_374 : vector<1024x256xf32>
    %get3A_376 = arith.constant 0 : index
    %get3A_377 = arith.constant 0 : index
    %get3A_378 = vector.load %arg15[%get3A_376, %get3A_377] : memref<256x1024xf32, #tpu.memory_space<vmem>>, vector<256x1024xf32>
    %dot_general3A_379 = arith.constant dense<0.000000e+00> : vector<1024x1024xf32>
    %dot_general3A_380 = tpu.matmul %add3A_375, %get3A_378, %dot_general3A_379 {dimension_numbers = #tpu.dot_dimension_numbers<[1], [0], [0], [1], [0, 0, 1, 1], [], []>, transpose_lhs_hint = false} : vector<1024x256xf32>, vector<256x1024xf32>, vector<1024x1024xf32> -> vector<1024x1024xf32>
    %get3A_381 = arith.constant 0 : index
    %get3A_382 = arith.constant 0 : index
    %get3A_383 = vector.load %arg16[%get3A_381, %get3A_382] : memref<1x1024xf32, #tpu.memory_space<vmem>>, vector<1x1024xf32>
    %add3A_384 = vector.broadcast %get3A_383 : vector<1x1024xf32> to vector<1024x1024xf32>
    %add3A_385 = arith.addf %dot_general3A_380, %add3A_384 : vector<1024x1024xf32>
    %reduce_min3A_386 = arith.constant dense<0x7F800000> : vector<1024xf32>
    %reduce_min3A_387 = vector.multi_reduction <minimumf>, %add3A_385, %reduce_min3A_386 [1] : vector<1024x1024xf32> to vector<1024xf32>
    %broadcast_in_dim3A_388 = vector.shape_cast %reduce_min3A_387 : vector<1024xf32> to vector<1024x1xf32>
    %le3A_389 = vector.broadcast %broadcast_in_dim3A_388 : vector<1024x1xf32> to vector<1024x1024xf32>
    %le3A_390 = arith.cmpf ole, %add3A_385, %le3A_389 : vector<1024x1024xf32>
    %jit3A_391 = arith.constant 1.024000e+03 : f32
    %broadcast_in_dim3A_392 = vector.broadcast %jit3A_391 : f32 to vector<1024x1024xf32>
    %select_n3A_393 = arith.select %le3A_390, %convert_element_type3A_2, %broadcast_in_dim3A_392 : vector<1024x1024xi1>, vector<1024x1024xf32>
    %reduce_min3A_394 = arith.constant dense<0x7F800000> : vector<1024xf32>
    %reduce_min3A_395 = vector.multi_reduction <minimumf>, %select_n3A_393, %reduce_min3A_394 [1] : vector<1024x1024xf32> to vector<1024xf32>
    %broadcast_in_dim3A_396 = vector.shape_cast %reduce_min3A_395 : vector<1024xf32> to vector<1024x1xf32>
    %eq3A_397 = vector.broadcast %broadcast_in_dim3A_396 : vector<1024x1xf32> to vector<1024x1024xf32>
    %eq3A_398 = arith.cmpf oeq, %convert_element_type3A_2, %eq3A_397 : vector<1024x1024xf32>
    %jit3A_399 = arith.constant 1.000000e+00 : f32
    %jit3A_400 = arith.constant 0.000000e+00 : f32
    %broadcast_in_dim3A_401 = vector.broadcast %jit3A_399 : f32 to vector<1024x1024xf32>
    %broadcast_in_dim3A_402 = vector.broadcast %jit3A_400 : f32 to vector<1024x1024xf32>
    %select_n3A_403 = arith.select %eq3A_398, %broadcast_in_dim3A_401, %broadcast_in_dim3A_402 : vector<1024x1024xi1>, vector<1024x1024xf32>
    %convert_element_type3A_404 = arith.truncf %select_n3A_403 : vector<1024x1024xf32> to vector<1024x1024xbf16>
    %mul3A_405 = arith.mulf %add3A_375, %add3A_375 : vector<1024x256xf32>
    %reduce_sum3A_406 = vector.shape_cast %mul3A_405 : vector<1024x256xf32> to vector<1x1024x256xf32>
    %reduce_sum3A_407 = arith.constant dense<0.000000e+00> : vector<1xf32>
    %reduce_sum3A_408 = vector.multi_reduction <add>, %reduce_sum3A_406, %reduce_sum3A_407 [1, 2] : vector<1x1024x256xf32> to vector<1xf32>
    %reduce_sum3A_409 = vector.shape_cast %reduce_sum3A_408 : vector<1xf32> to vector<1x1x1xf32>
    %reduce_sum3A_410 = vector.extract %reduce_sum3A_409[0, 0, 0] : f32 from vector<1x1x1xf32>
    %reduce_sum3A_411 = vector.shape_cast %reduce_min3A_387 : vector<1024xf32> to vector<1x1024xf32>
    %reduce_sum3A_412 = arith.constant dense<0.000000e+00> : vector<1xf32>
    %reduce_sum3A_413 = vector.multi_reduction <add>, %reduce_sum3A_411, %reduce_sum3A_412 [1] : vector<1x1024xf32> to vector<1xf32>
    %reduce_sum3A_414 = vector.shape_cast %reduce_sum3A_413 : vector<1xf32> to vector<1x1xf32>
    %reduce_sum3A_415 = vector.extract %reduce_sum3A_414[0, 0] : f32 from vector<1x1xf32>
    %add3A_416 = arith.addf %reduce_sum3A_410, %reduce_sum3A_415 : f32
    %div3A_417 = arith.constant 2.621440e+05 : f32
    %div3A_418 = arith.divf %add3A_416, %div3A_417 : f32
    %dot_general3A_419 = arith.constant dense<0.000000e+00> : vector<8x1024xf32>
    %dot_general3A_420 = tpu.matmul %broadcast_in_dim3A_3, %convert_element_type3A_404, %dot_general3A_419 {dimension_numbers = #tpu.dot_dimension_numbers<[1], [0], [0], [1], [0, 0, 1, 1], [], []>, transpose_lhs_hint = false} : vector<8x1024xbf16>, vector<1024x1024xbf16>, vector<8x1024xf32> -> vector<8x1024xf32>
    %slice3A_421 = vector.extract_strided_slice %dot_general3A_420 {offsets = [0, 0], sizes = [1, 1024], strides = [1, 1]} : vector<8x1024xf32> to vector<1x1024xf32>
    %squeeze3A_422 = vector.shape_cast %slice3A_421 : vector<1x1024xf32> to vector<1024xf32>
    %mul3A_423 = arith.constant 9.765625E-4 : f32
    %mul3A_424 = vector.broadcast %mul3A_423 : f32 to vector<1024xf32>
    %mul3A_425 = arith.mulf %squeeze3A_422, %mul3A_424 : vector<1024xf32>
    %mul3A_426 = arith.constant 1.024000e+03 : f32
    %mul3A_427 = vector.broadcast %mul3A_426 : f32 to vector<1024xf32>
    %mul3A_428 = arith.mulf %mul3A_425, %mul3A_427 : vector<1024xf32>
    %add3A_429 = arith.constant 1.000000e-10 : f32
    %add3A_430 = vector.broadcast %add3A_429 : f32 to vector<1024xf32>
    %add3A_431 = arith.addf %mul3A_428, %add3A_430 : vector<1024xf32>
    %log3A_432 = math.log %add3A_431 : vector<1024xf32>
    %mul3A_433 = arith.mulf %mul3A_425, %log3A_432 : vector<1024xf32>
    %reduce_sum3A_434 = vector.shape_cast %mul3A_433 : vector<1024xf32> to vector<1x1024xf32>
    %reduce_sum3A_435 = arith.constant dense<0.000000e+00> : vector<1xf32>
    %reduce_sum3A_436 = vector.multi_reduction <add>, %reduce_sum3A_434, %reduce_sum3A_435 [1] : vector<1x1024xf32> to vector<1xf32>
    %reduce_sum3A_437 = vector.shape_cast %reduce_sum3A_436 : vector<1xf32> to vector<1x1xf32>
    %reduce_sum3A_438 = vector.extract %reduce_sum3A_437[0, 0] : f32 from vector<1x1xf32>
    %convert_element_type3A_439 = arith.fptosi %reduce_min3A_395 : vector<1024xf32> to vector<1024xi32>
    %swap3A_440 = arith.constant 3 : index
    %swap3A_441 = arith.constant 0 : index
    %swap3A_442 = arith.constant 0 : index
    %swap3A_443 = vector.load %arg10[%swap3A_440, %swap3A_441, %swap3A_442] : memref<4x1x1024xi32, #tpu.memory_space<vmem>>, vector<1x1x1024xi32>
    %swap3A_444 = vector.shape_cast %swap3A_443 : vector<1x1x1024xi32> to vector<1024xi32>
    %swap3A_445 = vector.shape_cast %convert_element_type3A_439 : vector<1024xi32> to vector<1x1x1024xi32>
    tpu.vector_store %arg10[%swap3A_440, %swap3A_441, %swap3A_442], %swap3A_445 {strides = array<i32>} : memref<4x1x1024xi32, #tpu.memory_space<vmem>>, vector<1x1x1024xi32>,
    %broadcast_in_dim3A_446 = vector.broadcast %div3A_418 : f32 to vector<128xf32>
    %swap3A_447 = arith.constant 3 : index
    %swap3A_448 = arith.constant 0 : index
    %swap3A_449 = arith.constant 0 : index
    %swap3A_450 = vector.load %arg11[%swap3A_447, %swap3A_448, %swap3A_449] : memref<4x1x128xf32, #tpu.memory_space<vmem>>, vector<1x1x128xf32>
    %swap3A_451 = vector.shape_cast %swap3A_450 : vector<1x1x128xf32> to vector<128xf32>
    %swap3A_452 = vector.shape_cast %broadcast_in_dim3A_446 : vector<128xf32> to vector<1x1x128xf32>
    tpu.vector_store %arg11[%swap3A_447, %swap3A_448, %swap3A_449], %swap3A_452 {strides = array<i32>} : memref<4x1x128xf32, #tpu.memory_space<vmem>>, vector<1x1x128xf32>,
    %broadcast_in_dim3A_453 = vector.broadcast %reduce_sum3A_438 : f32 to vector<128xf32>
    %swap3A_454 = arith.constant 3 : index
    %swap3A_455 = arith.constant 0 : index
    %swap3A_456 = arith.constant 0 : index
    %swap3A_457 = vector.load %arg12[%swap3A_454, %swap3A_455, %swap3A_456] : memref<4x1x128xf32, #tpu.memory_space<vmem>>, vector<1x1x128xf32>
    %swap3A_458 = vector.shape_cast %swap3A_457 : vector<1x1x128xf32> to vector<128xf32>
    %swap3A_459 = vector.shape_cast %broadcast_in_dim3A_453 : vector<128xf32> to vector<1x1x128xf32>
    tpu.vector_store %arg12[%swap3A_454, %swap3A_455, %swap3A_456], %swap3A_459 {strides = array<i32>} : memref<4x1x128xf32, #tpu.memory_space<vmem>>, vector<1x1x128xf32>,
    %convert_element_type3A_460 = arith.truncf %get3A_364 : vector<1024x256xf32> to vector<1024x256xbf16>
    %get3A_461 = arith.constant 0 : index
    %get3A_462 = arith.constant 0 : index
    %get3A_463 = vector.load %arg17[%get3A_461, %get3A_462] : memref<256x256xbf16, #tpu.memory_space<vmem>>, vector<256x256xbf16>
    %dot_general3A_464 = arith.constant dense<0.000000e+00> : vector<1024x256xf32>
    %dot_general3A_465 = tpu.matmul %convert_element_type3A_460, %get3A_463, %dot_general3A_464 {dimension_numbers = #tpu.dot_dimension_numbers<[1], [0], [0], [1], [0, 0, 1, 1], [], []>, transpose_lhs_hint = false} : vector<1024x256xbf16>, vector<256x256xbf16>, vector<1024x256xf32> -> vector<1024x256xf32>
    %get3A_466 = arith.constant 0 : index
    %get3A_467 = arith.constant 0 : index
    %get3A_468 = vector.load %arg8[%get3A_466, %get3A_467] : memref<1x256xf32, #tpu.memory_space<vmem>>, vector<1x256xf32>
    %add3A_469 = vector.broadcast %get3A_468 : vector<1x256xf32> to vector<1024x256xf32>
    %add3A_470 = arith.addf %dot_general3A_465, %add3A_469 : vector<1024x256xf32>
    %swap3A_471 = arith.constant 3 : index
    %swap3A_472 = arith.constant 0 : index
    %swap3A_473 = arith.constant 0 : index
    %swap3A_474 = vector.load %arg9[%swap3A_471, %swap3A_472, %swap3A_473] : memref<4x1024x256xf32, #tpu.memory_space<vmem>>, vector<1x1024x256xf32>
    %swap3A_475 = vector.shape_cast %swap3A_474 : vector<1x1024x256xf32> to vector<1024x256xf32>
    %swap3A_476 = vector.shape_cast %add3A_470 : vector<1024x256xf32> to vector<1x1024x256xf32>
    tpu.vector_store %arg9[%swap3A_471, %swap3A_472, %swap3A_473], %swap3A_476 {strides = array<i32>} : memref<4x1024x256xf32, #tpu.memory_space<vmem>>, vector<1x1024x256xf32>,
    return
  }
  func.func @transform_0(%arg0: i32) -> (i32, i32, i32) {
    %c0_i32 = arith.constant 0 : i32
    %c0_i32_0 = arith.constant 0 : i32
    %c0_i32_1 = arith.constant 0 : i32
    return %arg0, %c0_i32, %c0_i32_0 : i32, i32, i32
  }
  func.func @transform_1(%arg0: i32) -> (i32, i32, i32) {
    %c0_i32 = arith.constant 0 : i32
    %c0_i32_0 = arith.constant 0 : i32
    %c0_i32_1 = arith.constant 0 : i32
    return %arg0, %c0_i32, %c0_i32_0 : i32, i32, i32
  }
  func.func @transform_2(%arg0: i32) -> (i32, i32) {
    %c0_i32 = arith.constant 0 : i32
    %c0_i32_0 = arith.constant 0 : i32
    %c0_i32_1 = arith.constant 0 : i32
    return %c0_i32, %c0_i32_0 : i32, i32
  }
  func.func @transform_3(%arg0: i32) -> (i32, i32) {
    %c0_i32 = arith.constant 0 : i32
    %c0_i32_0 = arith.constant 0 : i32
    %c0_i32_1 = arith.constant 0 : i32
    return %c0_i32, %c0_i32_0 : i32, i32
  }
  func.func @transform_4(%arg0: i32) -> (i32, i32) {
    %c0_i32 = arith.constant 0 : i32
    %c0_i32_0 = arith.constant 0 : i32
    %c0_i32_1 = arith.constant 0 : i32
    return %c0_i32, %c0_i32_0 : i32, i32
  }
  func.func @transform_5(%arg0: i32) -> (i32, i32) {
    %c0_i32 = arith.constant 0 : i32
    %c0_i32_0 = arith.constant 0 : i32
    %c0_i32_1 = arith.constant 0 : i32
    return %c0_i32, %c0_i32_0 : i32, i32
  }
  func.func @transform_6(%arg0: i32) -> (i32, i32) {
    %c0_i32 = arith.constant 0 : i32
    %c0_i32_0 = arith.constant 0 : i32
    %c0_i32_1 = arith.constant 0 : i32
    return %c0_i32, %c0_i32_0 : i32, i32
  }
  func.func @transform_7(%arg0: i32) -> (i32, i32) {
    %c0_i32 = arith.constant 0 : i32
    %c0_i32_0 = arith.constant 0 : i32
    %c0_i32_1 = arith.constant 0 : i32
    return %c0_i32, %c0_i32_0 : i32, i32
  }
  func.func @transform_8(%arg0: i32) -> (i32, i32, i32) {
    %c0_i32 = arith.constant 0 : i32
    %c0_i32_0 = arith.constant 0 : i32
    %c0_i32_1 = arith.constant 0 : i32
    return %arg0, %c0_i32, %c0_i32_0 : i32, i32, i32
  }
  func.func @transform_9(%arg0: i32) -> (i32, i32, i32) {
    %c0_i32 = arith.constant 0 : i32
    %c0_i32_0 = arith.constant 0 : i32
    %c0_i32_1 = arith.constant 0 : i32
    return %arg0, %c0_i32, %c0_i32_0 : i32, i32, i32
  }
  func.func @transform_10(%arg0: i32) -> (i32, i32, i32) {
    %c0_i32 = arith.constant 0 : i32
    %c0_i32_0 = arith.constant 0 : i32
    %c0_i32_1 = arith.constant 0 : i32
    return %arg0, %c0_i32, %c0_i32_0 : i32, i32, i32
  }
  func.func @transform_11(%arg0: i32) -> (i32, i32, i32) {
    %c0_i32 = arith.constant 0 : i32
    %c0_i32_0 = arith.constant 0 : i32
    %c0_i32_1 = arith.constant 0 : i32
    return %arg0, %c0_i32, %c0_i32_0 : i32, i32, i32
  }
  func.func @transform_12(%arg0: i32) -> (i32, i32) {
    %c0_i32 = arith.constant 0 : i32
    %c0_i32_0 = arith.constant 0 : i32
    %c0_i32_1 = arith.constant 0 : i32
    return %c0_i32, %c0_i32_0 : i32, i32
  }
}

module attributes {stable_mosaic.version = 14 : i64} {
  func.func @_body_add(%arg0: i32, %arg1: memref<2048x256xf32, #tpu.memory_space<vmem>>, %arg2: memref<2048x256xf32, #tpu.memory_space<vmem>>, %arg3: memref<2048x256xf32, #tpu.memory_space<vmem>>) attributes {dimension_semantics = [#tpu.dimension_semantics<arbitrary>], iteration_bounds = array<i64: 8>, scalar_prefetch = 0 : i64, scratch_operands = 0 : i64, tpu.core_type = #tpu.core_type<tc>, window_params = [{transform_indices = @transform_0, window_bounds = array<i64: 2048, 256>}, {transform_indices = @transform_1, window_bounds = array<i64: 2048, 256>}, {transform_indices = @transform_2, window_bounds = array<i64: 2048, 256>}]} {
    %get3A = arith.constant 0 : index
    %get3A_0 = arith.constant 0 : index
    %get3A_1 = vector.load %arg1[%get3A, %get3A_0] : memref<2048x256xf32, #tpu.memory_space<vmem>>, vector<2048x256xf32>
    %get3A_2 = arith.constant 0 : index
    %get3A_3 = arith.constant 0 : index
    %get3A_4 = vector.load %arg2[%get3A_2, %get3A_3] : memref<2048x256xf32, #tpu.memory_space<vmem>>, vector<2048x256xf32>
    %add3A = arith.addf %get3A_1, %get3A_4 : vector<2048x256xf32>
    %swap3A = arith.constant 0 : index
    %swap3A_5 = arith.constant 0 : index
    %swap3A_6 = vector.load %arg3[%swap3A, %swap3A_5] : memref<2048x256xf32, #tpu.memory_space<vmem>>, vector<2048x256xf32>
    tpu.vector_store %arg3[%swap3A, %swap3A_5], %add3A {strides = array<i32>} : memref<2048x256xf32, #tpu.memory_space<vmem>>, vector<2048x256xf32>,
    return
  }
  func.func @transform_0(%arg0: i32) -> (i32, i32) {
    %c0_i32 = arith.constant 0 : i32
    %c0_i32_0 = arith.constant 0 : i32
    return %arg0, %c0_i32 : i32, i32
  }
  func.func @transform_1(%arg0: i32) -> (i32, i32) {
    %c0_i32 = arith.constant 0 : i32
    %c0_i32_0 = arith.constant 0 : i32
    return %arg0, %c0_i32 : i32, i32
  }
  func.func @transform_2(%arg0: i32) -> (i32, i32) {
    %c0_i32 = arith.constant 0 : i32
    %c0_i32_0 = arith.constant 0 : i32
    return %arg0, %c0_i32 : i32, i32
  }
}

</mosaic_0001>

<sc_bundles>
// kernel: kernel.5.cloned.1.call-start
scs
__scs_entry_jumppad:
0x0: {  	(pc) =	sbr.rel $0x88, $3  }
0x1: {  	(tag) =	ssettag $0x0;
	lr =	simm.s32 $0x1  }
0x2: {  	[smem:$0x3F9A] =	sst lr;
	_ =	strace $0xD0000000  }
0x3: {  	_ = 	snop  }
0x4: {  	_ = 	snop  }
0x5: {  	_ = 	snop  }
0x6: {  	_ = 	snop  }
0x7: {  	_ = 	snop  }
__scs_overlays_trampoline_lowered:
0x8: {  	[smem:$0x3FA9] =	sst s0  }
0x9: {  	[smem:$0x3FAA] =	sst s1  }
0xa: {  	[smem:$0x3FAB] =	sst s2  }
0xb: {  	[smem:$0x3FAC] =	sst s3  }
0xc: {  	[smem:$0x3FAD] =	sst s4  }
0xd: {  	[smem:$0x3FAE] =	sst s5  }
0xe: {  	[smem:$0x3FAF] =	sst s6  }
0xf: {  	[smem:$0x3FB0] =	sst s7  }
0x10: {  	[smem:$0x3FB1] =	sst s8  }
0x11: {  	[smem:$0x3FB2] =	sst s9;
	s0 =	simm.s32 @!p0 $0x0  }
0x12: {  	s1 =	sld [smem:$0x3F98];
	s0 =	simm.s32 @p0 $0x1  }
0x13: {  	[smem:$0x3FB3] =	sst s0;
	s0 =	simm.s32 @!p1 $0x0  }
0x14: {  	s2 =	sld [smem:$0x3F97];
	s0 =	simm.s32 @p1 $0x1  }
0x15: {  	[smem:$0x3FB4] =	sst s0;
	s0 =	simm.s32 @!p2 $0x0  }
0x16: {  	s3 =	sld [smem:$0x3FDB];
	s0 =	simm.s32 @p2 $0x1  }
0x17: {  	s4 =	simm.s32 $0x1BF5;
	[smem:$0x3FB6] =	sst s0  }
0x18: {  	s0 =	sld [smem:$0x3F99];
	_ =	swait.ge [sflag:s4], $0x0  }
0x19: {  	s7 =	sld [smem:$0x3F9A]  }
0x1a: {  	s8 =	sadd.s32 $0xFFFFE003, lr  }
0x1b: {  	s9 =	sadd.s32 $0xFFFFFEF7, lr;
	s5 =	simm.s32 $0xFFFFFFFF;
	p2 =	slt.u32 s8, $0xFFFFF086  }
0x1c: {  	p1 =	slt.u32 s9, $0xF7A;
	s5 =	simm.s32 @!p2 $0x0  }
0x1d: {  	s5 =	simm.s32 @p1 $0x1;
	p0 =	seq.s32 s7, s2  }
0x1e: {  	s7 =	smul.u32 @!p0 $0xF7A, s2;
	p2 =	seq.s32 @!p0 s5, $0x0  }
0x1f: {  	s9 =	smul.u32 $0xF7A, s1;
	s8 =	simm.s32 @!p0 $0x1BF5;
	p2 =	por !p2, p0  }
0x20: {  	[sflag:s8] =	ssyncset.s32 @!p0 $0xFFFFF086;
	s6 =	sadd.s32 @!p0 s3, s7;
	s7 =	simm.s32 @!p0 $0x108  }
0x21: {  	s3 =	sadd.s32 s3, s9;
	s6 =	sadd.s32 @!p0 $0x88, s6;
	s7 =	simm.s32 @p2 $0x1082  }
0x22: {  	[simem:s7], [sflag:s8] =	dma.local @!p0 [hbm:s6], $0xF7A  }
0x23: {  	s9 =	sor.u32 $0xD0000000, s2;
	s6 =	simm.s32 $0x108;
	_ =	swait.ge @!p0 [sflag:s8], $0x0  }
0x24: {  	s3 =	sadd.s32 $0x88, s3;
	s6 =	simm.s32 @!p1 $0x1082;
	[sflag:s4] =	ssyncset.s32 $0xFFFFF086  }
0x25: {  	[simem:s6], [sflag:s4] =	dma.local [hbm:s3], $0xF7A  }
0x26: {  	[smem:$0x3F9A] =	sst s1;
	(tag) =	ssettag s2;
	_ =	strace s9  }
0x27: {  	s1 =	sld [smem:$0x3FAA]  }
0x28: {  	s2 =	sld [smem:$0x3FAB]  }
0x29: {  	s4 =	sld [smem:$0x3FAD]  }
0x2a: {  	p0 =	seq.s32 s5, $0x0;
	s5 =	sld [smem:$0x3FAE]  }
0x2b: {  	s6 =	sld [smem:$0x3FAF]  }
0x2c: {  	s7 =	sld [smem:$0x3FB0]  }
0x2d: {  	s3 =	simm.s32 $0x108;
	s8 =	sld [smem:$0x3FB1]  }
0x2e: {  	s3 =	simm.s32 @!p0 $0x1082;
	s9 =	sld [smem:$0x3FB2]  }
0x2f: {  	lr =	sadd.s32 s0, s3;
	s0 =	sld [smem:$0x3FA9]  }
0x30: {  	s3 =	sld [smem:$0x3FAC]  }
0x31: {  	[smem:$0x3FB5] =	sst s10  }
0x32: {  	s10 =	sld [smem:$0x3FB3];
	_ =	sdelay $0x3  }
0x33: {  	p0 =	seq.s32 s10, $0x1;
	s10 =	sld [smem:$0x3FB5];
	_ =	sdelay $0x3  }
0x34: {  	[smem:$0x3FB5] =	sst s10  }
0x35: {  	s10 =	sld [smem:$0x3FB4];
	_ =	sdelay $0x3  }
0x36: {  	p1 =	seq.s32 s10, $0x1;
	s10 =	sld [smem:$0x3FB5];
	_ =	sdelay $0x3  }
0x37: {  	[smem:$0x3FB5] =	sst s10  }
0x38: {  	s10 =	sld [smem:$0x3FB6]  }
0x39: {  	_ = 	snop;
	(pc) =	sbr.ind lr, $3  }
0x3a: {  	_ = 	snop  }
0x3b: {  	_ = 	snop  }
0x3c: {  	p2 =	seq.s32 s10, $0x1;
	s10 =	sld [smem:$0x3FB5]  }
0x3d: {  	_ =	shalt  }
0x3e: {  	_ =	shalt  }
0x3f: {  	_ =	shalt  }
0x40: {  	_ =	shalt  }
0x41: {  	_ =	shalt  }
0x42: {  	_ =	shalt  }
0x43: {  	_ =	shalt  }
0x44: {  	_ =	shalt  }
0x45: {  	_ =	shalt  }
0x46: {  	_ =	shalt  }
0x47: {  	_ =	shalt  }
0x48: {  	_ =	shalt  }
0x49: {  	_ =	shalt  }
0x4a: {  	_ =	shalt  }
0x4b: {  	_ =	shalt  }
0x4c: {  	_ =	shalt  }
0x4d: {  	_ =	shalt  }
0x4e: {  	_ =	shalt  }
0x4f: {  	_ =	shalt  }
0x50: {  	_ =	shalt  }
0x51: {  	_ =	shalt  }
0x52: {  	_ =	shalt  }
0x53: {  	_ =	shalt  }
0x54: {  	_ =	shalt  }
0x55: {  	_ =	shalt  }
0x56: {  	_ =	shalt  }
0x57: {  	_ =	shalt  }
0x58: {  	_ =	shalt  }
0x59: {  	_ =	shalt  }
0x5a: {  	_ =	shalt  }
0x5b: {  	_ =	shalt  }
0x5c: {  	_ =	shalt  }
0x5d: {  	_ =	shalt  }
0x5e: {  	_ =	shalt  }
0x5f: {  	_ =	shalt  }
0x60: {  	_ =	shalt  }
0x61: {  	_ =	shalt  }
0x62: {  	_ =	shalt  }
0x63: {  	_ =	shalt  }
0x64: {  	_ =	shalt  }
0x65: {  	_ =	shalt  }
0x66: {  	_ =	shalt  }
0x67: {  	_ =	shalt  }
0x68: {  	_ =	shalt  }
0x69: {  	_ =	shalt  }
0x6a: {  	_ =	shalt  }
0x6b: {  	_ =	shalt  }
0x6c: {  	_ =	shalt  }
0x6d: {  	_ =	shalt  }
0x6e: {  	_ =	shalt  }
0x6f: {  	_ =	shalt  }
0x70: {  	_ =	shalt  }
0x71: {  	_ =	shalt  }
0x72: {  	_ =	shalt  }
0x73: {  	_ =	shalt  }
0x74: {  	_ =	shalt  }
0x75: {  	_ =	shalt  }
0x76: {  	_ =	shalt  }
0x77: {  	_ =	shalt  }
0x78: {  	_ =	shalt  }
0x79: {  	_ =	shalt  }
0x7a: {  	_ =	shalt  }
0x7b: {  	_ =	shalt  }
0x7c: {  	_ =	shalt  }
0x7d: {  	_ =	shalt  }
0x7e: {  	_ =	shalt  }
0x7f: {  	_ =	shalt  }
0x80: {  	_ =	shalt  }
0x81: {  	_ =	shalt  }
0x82: {  	_ =	shalt  }
0x83: {  	_ =	shalt  }
0x84: {  	_ =	shalt  }
0x85: {  	_ =	shalt  }
0x86: {  	_ =	shalt  }
0x87: {  	_ =	shalt  }
.Lfunc_end0:
.L_simem_size_0:
called_computation_lowered:
.L_overlay_start_0:
0x88: {  	s2 =	sld [smem:$0x3FD9]  }
0x89: {  	s3 =	sld [smem:$0x3FFE];
	_ =	sdelay $0x1  }
0x8a: {  	s1 =	srdreg.scid  }
0x8b: {  	s0 =	sand.u32 $0x1, s1  }
0x8c: {  	s14 =	sshll.u32 s0, $0xA;
	s2 =	sadd.s32 s3, s2  }
0x8d: {  	s2 =	sadd.s32 s2, s14  }
0x8e: {  	[smem:$0x3FC1] =	sst s2  }
0x8f: {  	_ = 	snop  }
0x90: {  	s2 =	sld [smem:$0x3FD0];
	_ =	sdelay $0x2  }
0x91: {  	s15 =	simm.s32 $0xA;
	s4 =	simm.s32 $0x10  }
0x92: {  	[smem:s4], [sflag:s15] =	dma.local [hbm:s2], $0x1  }
0x93: {  	_ =	swait.eq [sflag:s15], $0x1  }
0x94: {  	[sflag:s15] =	ssyncset.done $0x0  }
0x95: {  	[sflag:s15] =	ssyncadd.s32 $0xFFFFFFFF  }
0x96: {  	s16 =	sld [smem:$0x10];
	(tm) =	ssettm $0x1  }
0x97: {  	s17 =	sld [smem:$0x3FFB];
	_ =	sdelay $0x3  }
0x98: {  	_ =	strace s17  }
0x99: {  	s3 =	sld [smem:$0x3FFC];
	_ =	sdelay $0x3  }
0x9a: {  	_ =	strace s3  }
0x9b: {  	s3 =	sld [smem:$0x3FFD];
	_ =	sdelay $0x3  }
0x9c: {  	_ =	strace s3  }
0x9d: {  	_ =	strace $0x8FFFFFFF  }
0x9e: {  	s18 =	sld [smem:$0x3FDB];
	_ =	sdelay $0x1  }
0x9f: {  	s19 =	simm.s32 $_scs_section_size  }
0xa0: {  	s5 =	simm.s32 $_size__tile_overlayer_lowered;
	s6 =	simm.s32 $_tile_overlayer_lowered  }
0xa1: {  	s22 =	simm.s32 $0x1BFF;
	s21 =	sshll.u32 s6, $0x1;
	s3 =	sadd.s32 s19, s18  }
0xa2: {  	s7 =	simm.s32 $0x0;
	s20 =	sshll.u32 s5, $0x1;
	s5 =	sadd.s32 s21, s3  }
0xa3: {  	[timem:s7], [sflag:s22] =	dma.local [hbm:s5], s20  }
0xa4: {  	_ =	swait.ge [sflag:s22], s20  }
0xa5: {  	s4 =	ssub.s32 $0x0, s20;
	[sflag:s22] =	ssyncset.done $0x0  }
0xa6: {  	[sflag:s22] =	ssyncadd.s32 s4;
	_ =	sdelay $0x1  }
0xa7: {  	s23 =	simm.s32 $0x1B8B  }
0xa8: {  	_ =	swait.ge [sflag:s23], $0x1  }
0xa9: {  	[sflag:s23] =	ssyncset.done $0x0  }
0xaa: {  	s25 =	simm.s32 $0x1B8E;
	s24 =	sld [smem:$0x3FFE];
	[sflag:s23] =	ssyncadd.s32 $0xFFFFFFFF  }
0xab: {  	s26 =	simm.s32 $execute0_lowered;
	[smem:$0x3FD2] =	sst s25  }
0xac: {  	s5 =	sshll.u32 s26, $0x1;
	_ =	strace $0x80000046;
	[dreg:$0x1] =	wrdreg $0xFFFFFFFF  }
0xad: {  	s28 =	simm.s32 $_size_execute0_lowered;
	s3 =	sadd.s32 s3, s5;
	[dreg:$0x0] =	wrdreg $0x0  }
0xae: {  	s5 =	sshll.u32 s28, $0x1;
	[dreg:$0x2] =	wrdreg s3  }
0xaf: {  	[dreg:$0x3] =	wrdreg s5  }
0xb0: {  	[dreg:$0x4] =	wrdreg $0xC0  }
0xb1: {  	_ =	task [dreg:s7], $0x5FFFF  }
0xb2: {  	[dreg:$0x1] =	wrdreg $0xFFFFFFFF  }
0xb3: {  	[dreg:$0x0] =	wrdreg $0x60  }
0xb4: {  	[dreg:$0x2] =	wrdreg s16  }
0xb5: {  	[dreg:$0x3] =	wrdreg s24  }
0xb6: {  	[dreg:$0x4] =	wrdreg $0x9  }
0xb7: {  	_ =	task.clear_ibuf [dreg:s7], $0x5FFFF;
	_ =	strace $0x90000046  }
0xb8: {  	s29 =	simm.s32 $0x9;
	_ =	strace $0x80000048  }
0xb9: {  	_ =	swait.ge [sflag:s29], $0x1  }
0xba: {  	[sflag:s29] =	ssyncadd.s32 $0xFFFFFFFF  }
0xbb: {  	_ =	strace $0x90000048  }
0xbc: {  	_ =	sfence  }
0xbd: {  	s30 =	sld [smem:$0x0];
	_ =	sdelay $0x2  }
0xbe: {  	s31 =	sshll.u32 s1, $0xD;
	s1 =	sshrl.u32 s1, $0x2  }
0xbf: {  	s3 =	sand.u32 $0x4000, s31;
	s1 =	sadd.s32 s1, s30  }
0xc0: {  	s0 =	sor.u32 s3, s0;
	s1 =	sshll.u32 s1, $0x11  }
0xc1: {  	s0 =	sor.u32 s1, s0  }
0xc2: {  	s0 =	sadd.s32 $0x8F2B, s0  }
0xc3: {  	[sflag:s0] =	ssyncadd.remote.s32 $0x1  }
0xc4: {  	_ =	sfence.sel $0xFFFF  }
0xc5: {  	[dreg:$0x0] =	wrdreg $0xFFFFFFFF;
	(pc) =	sbr.abs _section_cstart, $3  }
0xc6: {  	[dreg:$0x1] =	wrdreg $0xFFFFFFFF  }
0xc7: {  	_ =	task.clear_ibuf [dreg:s7], $0x2FFFF;
	_ =	strace $0x9FFFFFFF  }
0xc8: {  	(tm) =	ssettm $0x7FFFFFFF  }
0xc9: {  	_ =	shalt  }
tec
execute0_lowered:
.L_overlay_start_1:
0x0: {  	(tag) =	ssettag $0x1  }
0x1: {  	s1 =	rddreg [dreg:$0x0]  }
0x2: {  	s4 =	rddreg [dreg:$0x1]  }
0x3: {  	s0 =	rddreg [dreg:$0x2];
	s2 =	simm.s32 $0x0  }
0x4: {  	s5 =	srdreg.scid;
	s3 =	stileid.u32;
	s15 =	simm.s32 $0x880  }
0x5: {  	s16 =	simm.s32 $0x1080;
	s17 =	simm.s32 $0x1880;
	s18 =	simm.s32 $0x2080  }
0x6: {  	s19 =	simm.s32 $0x2880;
	s20 =	simm.s32 $0x3080;
	s28 =	simm.s32 $0x6880  }
0x7: {  	s29 =	simm.s32 $0x7080;
	s30 =	simm.s32 $0x7880;
	s31 =	simm.s32 $0x1  }
0x8: {  	[smem:$0x7FF] =	sst s2;
	s10 =	sadd.s32 $0xE00, s4;
	s5 =	sand.u32 $0x1, s5  }
0x9: {  	s7 =	sshll.u32 s3, $0xA;
	s6 =	ssub.s32 $0x2, s5;
	s5 =	sshll.u32 s5, $0x9  }
0xa: {  	s11 =	sadd.s32 $0x1600, s4;
	s21 =	sshrl.u32 s6, $0x1;
	s9 =	sor.u32 s5, s7  }
0xb: {  	_ =	strace $0x80000047;
	s12 =	ssub.s32 s6, s21;
	s22 =	sshrl.u32 s9, $0x3  }
0xc: {  	s5 =	sshll.u32 s9, $0x5;
	s23 =	sor.u32 $0x80, s9;
	s13 =	sor.u32 $0x100, s9  }
0xd: {  	s14 =	sor.u32 $0x180, s9;
	s21 =	simm.s32 $0x3880;
	s4 =	sadd.s32 s10, s22  }
0xe: {  	s5 =	sadd.s32 s11, s5;
	s24 =	sshrl.u32 s23, $0x3;
	s8 =	sshll.u32 s23, $0x5  }
0xf: {  	s25 =	sshrl.u32 s13, $0x3;
	s13 =	sshll.u32 s13, $0x5;
	s26 =	sshrl.u32 s14, $0x3  }
0x10: {  	s14 =	sshll.u32 s14, $0x5;
	s12 =	smax.u32 s12, $0x1;
	s22 =	simm.s32 $0x4080  }
0x11: {  	s23 =	simm.s32 $0x4880;
	s6 =	sadd.s32 s10, s24;
	s7 =	sadd.s32 s11, s8  }
0x12: {  	v2 =	vlaneseq.u32;
	s8 =	sadd.s32 s10, s25;
	s9 =	sadd.s32 s11, s13;
	s10 =	sadd.s32 s10, s26  }
0x13: {  	vm0 =	vmmov $0xffff;
	v1 =	vshrl.u32 v2, $0x3;
	s11 =	sadd.s32 s11, s14;
	s13 =	simm.s32 $0x2;
	s14 =	simm.s32 $0x80  }
0x14: {  	v0 =	vand.u32 $0x7, v2;
	v2 =	vor.u32 $0x8, v2;
	v1 =	vmul.u32 $0x8, v1;
	s24 =	simm.s32 $0x5080;
	s25 =	simm.s32 $0x5880;
	s26 =	simm.s32 $0x6080  }
.LBB2_1:
0x15: {  	[tilespmem:s2], [sflag:$0x2] =	stream.linear.gather [hbm4b:s4+s2], $0x80, $0x38;
	[tilespmem:$0x8080] =	vst v63  }
0x16: {  	_ =	swait.ge [sflag:s13], $0x80  }
0x17: {  	[sflag:s13] =	ssyncset.done $0x0  }
0x18: {  	[sflag:s13] =	ssyncadd.s32 $0xFFFFFF80  }
0x19: {  	v3 =	vld [tilespmem:$0x0];
	_ =	sdelay $0x4  }
0x1a: {  	v4 =	vshll.u32 v3, $0x1  }
0x1b: {  	v3 =	vand.u32 $0x7, v3;
	v4 =	vand.u32 $0xFFFFFFF0, v4  }
0x1c: {  	v3 =	vor.u32 v3, v4  }
0x1d: {  	v4 =	vperm.xlane v3, v0;
	_ =	sdelay $0x1  }
0x1e: {  	v3 =	vperm.xlane v3, v2;
	v4 =	vadd.s32 v1, v4;
	_ =	sdelay $0x1  }
0x1f: {  	v3 =	vadd.s32 v1, v3;
	_ =	sdelay $0x2  }
0x20: {  	[tilespmem:s14], [sflag:$0x1] =	stream.indirect_vreg.gather [hbm4b:s1+s2], $0x80, v4, vm0, $0xb8;
	[tilespmem:$0x8080] =	vst v63  }
0x21: {  	_ = 	snop  }
0x22: {  	[tilespmem:s15], [sflag:$0x1] =	stream.indirect_vreg.gather [hbm4b:s1+s2], $0x80, v3, vm0, $0xb8;
	[tilespmem:$0x8080] =	vst v63  }
0x23: {  	v3 =	vld [tilespmem:$0x10];
	_ =	sdelay $0x4  }
0x24: {  	v33 =	vshll.u32 v3, $0x1  }
0x25: {  	v3 =	vand.u32 $0x7, v3;
	v4 =	vand.u32 $0xFFFFFFF0, v33  }
0x26: {  	v3 =	vor.u32 v3, v4  }
0x27: {  	v4 =	vperm.xlane v3, v0;
	_ =	sdelay $0x1  }
0x28: {  	v3 =	vperm.xlane v3, v2;
	v4 =	vadd.s32 v1, v4;
	_ =	sdelay $0x1  }
0x29: {  	v3 =	vadd.s32 v1, v3;
	_ =	sdelay $0x2  }
0x2a: {  	[tilespmem:s16], [sflag:$0x1] =	stream.indirect_vreg.gather [hbm4b:s1+s2], $0x80, v4, vm0, $0xb8;
	[tilespmem:$0x8080] =	vst v63  }
0x2b: {  	_ = 	snop  }
0x2c: {  	[tilespmem:s17], [sflag:$0x1] =	stream.indirect_vreg.gather [hbm4b:s1+s2], $0x80, v3, vm0, $0xb8;
	[tilespmem:$0x8080] =	vst v63  }
0x2d: {  	v3 =	vld [tilespmem:$0x20];
	_ =	sdelay $0x4  }
0x2e: {  	v34 =	vshll.u32 v3, $0x1  }
0x2f: {  	v3 =	vand.u32 $0x7, v3;
	v4 =	vand.u32 $0xFFFFFFF0, v34  }
0x30: {  	v3 =	vor.u32 v3, v4  }
0x31: {  	v4 =	vperm.xlane v3, v0;
	_ =	sdelay $0x1  }
0x32: {  	v3 =	vperm.xlane v3, v2;
	v4 =	vadd.s32 v1, v4;
	_ =	sdelay $0x1  }
0x33: {  	v3 =	vadd.s32 v1, v3;
	_ =	sdelay $0x2  }
0x34: {  	[tilespmem:s18], [sflag:$0x1] =	stream.indirect_vreg.gather [hbm4b:s1+s2], $0x80, v4, vm0, $0xb8;
	[tilespmem:$0x8080] =	vst v63  }
0x35: {  	_ = 	snop  }
0x36: {  	[tilespmem:s19], [sflag:$0x1] =	stream.indirect_vreg.gather [hbm4b:s1+s2], $0x80, v3, vm0, $0xb8;
	[tilespmem:$0x8080] =	vst v63  }
0x37: {  	v3 =	vld [tilespmem:$0x30];
	_ =	sdelay $0x4  }
0x38: {  	v35 =	vshll.u32 v3, $0x1  }
0x39: {  	v3 =	vand.u32 $0x7, v3;
	v4 =	vand.u32 $0xFFFFFFF0, v35  }
0x3a: {  	v3 =	vor.u32 v3, v4  }
0x3b: {  	v4 =	vperm.xlane v3, v0;
	_ =	sdelay $0x1  }
0x3c: {  	v3 =	vperm.xlane v3, v2;
	v4 =	vadd.s32 v1, v4;
	_ =	sdelay $0x1  }
0x3d: {  	v3 =	vadd.s32 v1, v3;
	_ =	sdelay $0x2  }
0x3e: {  	[tilespmem:s20], [sflag:$0x1] =	stream.indirect_vreg.gather [hbm4b:s1+s2], $0x80, v4, vm0, $0xb8;
	[tilespmem:$0x8080] =	vst v63  }
0x3f: {  	_ = 	snop  }
0x40: {  	[tilespmem:s21], [sflag:$0x1] =	stream.indirect_vreg.gather [hbm4b:s1+s2], $0x80, v3, vm0, $0xb8;
	[tilespmem:$0x8080] =	vst v63  }
0x41: {  	v3 =	vld [tilespmem:$0x40];
	_ =	sdelay $0x4  }
0x42: {  	v36 =	vshll.u32 v3, $0x1  }
0x43: {  	v3 =	vand.u32 $0x7, v3;
	v4 =	vand.u32 $0xFFFFFFF0, v36  }
0x44: {  	v3 =	vor.u32 v3, v4  }
0x45: {  	v4 =	vperm.xlane v3, v0;
	_ =	sdelay $0x1  }
0x46: {  	v3 =	vperm.xlane v3, v2;
	v4 =	vadd.s32 v1, v4;
	_ =	sdelay $0x1  }
0x47: {  	v3 =	vadd.s32 v1, v3;
	_ =	sdelay $0x2  }
0x48: {  	[tilespmem:s22], [sflag:$0x1] =	stream.indirect_vreg.gather [hbm4b:s1+s2], $0x80, v4, vm0, $0xb8;
	[tilespmem:$0x8080] =	vst v63  }
0x49: {  	_ = 	snop  }
0x4a: {  	[tilespmem:s23], [sflag:$0x1] =	stream.indirect_vreg.gather [hbm4b:s1+s2], $0x80, v3, vm0, $0xb8;
	[tilespmem:$0x8080] =	vst v63  }
0x4b: {  	v3 =	vld [tilespmem:$0x50];
	_ =	sdelay $0x4  }
0x4c: {  	v37 =	vshll.u32 v3, $0x1  }
0x4d: {  	v3 =	vand.u32 $0x7, v3;
	v4 =	vand.u32 $0xFFFFFFF0, v37  }
0x4e: {  	v3 =	vor.u32 v3, v4  }
0x4f: {  	v4 =	vperm.xlane v3, v0;
	_ =	sdelay $0x1  }
0x50: {  	v3 =	vperm.xlane v3, v2;
	v4 =	vadd.s32 v1, v4;
	_ =	sdelay $0x1  }
0x51: {  	v3 =	vadd.s32 v1, v3;
	_ =	sdelay $0x2  }
0x52: {  	[tilespmem:s24], [sflag:$0x1] =	stream.indirect_vreg.gather [hbm4b:s1+s2], $0x80, v4, vm0, $0xb8;
	[tilespmem:$0x8080] =	vst v63  }
0x53: {  	_ = 	snop  }
0x54: {  	[tilespmem:s25], [sflag:$0x1] =	stream.indirect_vreg.gather [hbm4b:s1+s2], $0x80, v3, vm0, $0xb8;
	[tilespmem:$0x8080] =	vst v63  }
0x55: {  	v3 =	vld [tilespmem:$0x60];
	_ =	sdelay $0x4  }
0x56: {  	v38 =	vshll.u32 v3, $0x1  }
0x57: {  	v3 =	vand.u32 $0x7, v3;
	v4 =	vand.u32 $0xFFFFFFF0, v38  }
0x58: {  	v3 =	vor.u32 v3, v4  }
0x59: {  	v4 =	vperm.xlane v3, v0;
	_ =	sdelay $0x1  }
0x5a: {  	v3 =	vperm.xlane v3, v2;
	v4 =	vadd.s32 v1, v4;
	_ =	sdelay $0x1  }
0x5b: {  	v3 =	vadd.s32 v1, v3;
	_ =	sdelay $0x2  }
0x5c: {  	[tilespmem:s26], [sflag:$0x1] =	stream.indirect_vreg.gather [hbm4b:s1+s2], $0x80, v4, vm0, $0xb8;
	[tilespmem:$0x8080] =	vst v63  }
0x5d: {  	_ = 	snop  }
0x5e: {  	[tilespmem:s28], [sflag:$0x1] =	stream.indirect_vreg.gather [hbm4b:s1+s2], $0x80, v3, vm0, $0xb8;
	[tilespmem:$0x8080] =	vst v63  }
0x5f: {  	v3 =	vld [tilespmem:$0x70];
	_ =	sdelay $0x4  }
0x60: {  	v39 =	vshll.u32 v3, $0x1  }
0x61: {  	v3 =	vand.u32 $0x7, v3;
	v4 =	vand.u32 $0xFFFFFFF0, v39  }
0x62: {  	v3 =	vor.u32 v3, v4  }
0x63: {  	v4 =	vperm.xlane v3, v0;
	_ =	sdelay $0x1  }
0x64: {  	v3 =	vperm.xlane v3, v2;
	v4 =	vadd.s32 v1, v4;
	_ =	sdelay $0x1  }
0x65: {  	v3 =	vadd.s32 v1, v3;
	_ =	sdelay $0x2  }
0x66: {  	[tilespmem:s29], [sflag:$0x1] =	stream.indirect_vreg.gather [hbm4b:s1+s2], $0x80, v4, vm0, $0xb8;
	[tilespmem:$0x8080] =	vst v63  }
0x67: {  	_ = 	snop  }
0x68: {  	[tilespmem:s30], [sflag:$0x1] =	stream.indirect_vreg.gather [hbm4b:s1+s2], $0x80, v3, vm0, $0xb8;
	[tilespmem:$0x8080] =	vst v63  }
0x69: {  	_ =	swait.ge [sflag:s31], $0x8000  }
0x6a: {  	[sflag:s31] =	ssyncset.done $0x0  }
0x6b: {  	[sflag:s31] =	ssyncadd.s32 $0xFFFF8000  }
0x6c: {  	[hbm4b:s5+s2] =	stream.linear.scatter [tilespmem:s14], [sflag:$0x2], $0x8000, $0x38;
	[tilespmem:$0x8080] =	vst v63  }
0x6d: {  	_ =	swait.ge [sflag:s13], $0x8000  }
0x6e: {  	[sflag:s13] =	ssyncset.done $0x0  }
0x6f: {  	[sflag:s13] =	ssyncadd.s32 $0xFFFF8000  }
0x70: {  	[tilespmem:s2], [sflag:$0x2] =	stream.linear.gather [hbm4b:s6+s2], $0x80, $0x38;
	[tilespmem:$0x8080] =	vst v63  }
0x71: {  	_ =	swait.ge [sflag:s13], $0x80  }
0x72: {  	[sflag:s13] =	ssyncset.done $0x0  }
0x73: {  	[sflag:s13] =	ssyncadd.s32 $0xFFFFFF80  }
0x74: {  	v3 =	vld [tilespmem:$0x0];
	_ =	sdelay $0x4  }
0x75: {  	v40 =	vshll.u32 v3, $0x1  }
0x76: {  	v3 =	vand.u32 $0x7, v3;
	v4 =	vand.u32 $0xFFFFFFF0, v40  }
0x77: {  	v3 =	vor.u32 v3, v4  }
0x78: {  	v4 =	vperm.xlane v3, v0;
	_ =	sdelay $0x1  }
0x79: {  	v3 =	vperm.xlane v3, v2;
	v4 =	vadd.s32 v1, v4;
	_ =	sdelay $0x1  }
0x7a: {  	v3 =	vadd.s32 v1, v3;
	_ =	sdelay $0x2  }
0x7b: {  	[tilespmem:s14], [sflag:$0x1] =	stream.indirect_vreg.gather [hbm4b:s1+s2], $0x80, v4, vm0, $0xb8;
	[tilespmem:$0x8080] =	vst v63  }
0x7c: {  	_ = 	snop  }
0x7d: {  	[tilespmem:s15], [sflag:$0x1] =	stream.indirect_vreg.gather [hbm4b:s1+s2], $0x80, v3, vm0, $0xb8;
	[tilespmem:$0x8080] =	vst v63  }
0x7e: {  	v3 =	vld [tilespmem:$0x10];
	_ =	sdelay $0x4  }
0x7f: {  	v41 =	vshll.u32 v3, $0x1  }
0x80: {  	v3 =	vand.u32 $0x7, v3;
	v4 =	vand.u32 $0xFFFFFFF0, v41  }
0x81: {  	v3 =	vor.u32 v3, v4  }
0x82: {  	v4 =	vperm.xlane v3, v0;
	_ =	sdelay $0x1  }
0x83: {  	v3 =	vperm.xlane v3, v2;
	v4 =	vadd.s32 v1, v4;
	_ =	sdelay $0x1  }
0x84: {  	v3 =	vadd.s32 v1, v3;
	_ =	sdelay $0x2  }
0x85: {  	[tilespmem:s16], [sflag:$0x1] =	stream.indirect_vreg.gather [hbm4b:s1+s2], $0x80, v4, vm0, $0xb8;
	[tilespmem:$0x8080] =	vst v63  }
0x86: {  	_ = 	snop  }
0x87: {  	[tilespmem:s17], [sflag:$0x1] =	stream.indirect_vreg.gather [hbm4b:s1+s2], $0x80, v3, vm0, $0xb8;
	[tilespmem:$0x8080] =	vst v63  }
0x88: {  	v3 =	vld [tilespmem:$0x20];
	_ =	sdelay $0x4  }
0x89: {  	v42 =	vshll.u32 v3, $0x1  }
0x8a: {  	v3 =	vand.u32 $0x7, v3;
	v4 =	vand.u32 $0xFFFFFFF0, v42  }
0x8b: {  	v3 =	vor.u32 v3, v4  }
0x8c: {  	v4 =	vperm.xlane v3, v0;
	_ =	sdelay $0x1  }
0x8d: {  	v3 =	vperm.xlane v3, v2;
	v4 =	vadd.s32 v1, v4;
	_ =	sdelay $0x1  }
0x8e: {  	v3 =	vadd.s32 v1, v3;
	_ =	sdelay $0x2  }
0x8f: {  	[tilespmem:s18], [sflag:$0x1] =	stream.indirect_vreg.gather [hbm4b:s1+s2], $0x80, v4, vm0, $0xb8;
	[tilespmem:$0x8080] =	vst v63  }
0x90: {  	_ = 	snop  }
0x91: {  	[tilespmem:s19], [sflag:$0x1] =	stream.indirect_vreg.gather [hbm4b:s1+s2], $0x80, v3, vm0, $0xb8;
	[tilespmem:$0x8080] =	vst v63  }
0x92: {  	v3 =	vld [tilespmem:$0x30];
	_ =	sdelay $0x4  }
0x93: {  	v43 =	vshll.u32 v3, $0x1  }
0x94: {  	v3 =	vand.u32 $0x7, v3;
	v4 =	vand.u32 $0xFFFFFFF0, v43  }
0x95: {  	v3 =	vor.u32 v3, v4  }
0x96: {  	v4 =	vperm.xlane v3, v0;
	_ =	sdelay $0x1  }
0x97: {  	v3 =	vperm.xlane v3, v2;
	v4 =	vadd.s32 v1, v4;
	_ =	sdelay $0x1  }
0x98: {  	v3 =	vadd.s32 v1, v3;
	_ =	sdelay $0x2  }
0x99: {  	[tilespmem:s20], [sflag:$0x1] =	stream.indirect_vreg.gather [hbm4b:s1+s2], $0x80, v4, vm0, $0xb8;
	[tilespmem:$0x8080] =	vst v63  }
0x9a: {  	_ = 	snop  }
0x9b: {  	[tilespmem:s21], [sflag:$0x1] =	stream.indirect_vreg.gather [hbm4b:s1+s2], $0x80, v3, vm0, $0xb8;
	[tilespmem:$0x8080] =	vst v63  }
0x9c: {  	v3 =	vld [tilespmem:$0x40];
	_ =	sdelay $0x4  }
0x9d: {  	v44 =	vshll.u32 v3, $0x1  }
0x9e: {  	v3 =	vand.u32 $0x7, v3;
	v4 =	vand.u32 $0xFFFFFFF0, v44  }
0x9f: {  	v3 =	vor.u32 v3, v4  }
0xa0: {  	v4 =	vperm.xlane v3, v0;
	_ =	sdelay $0x1  }
0xa1: {  	v3 =	vperm.xlane v3, v2;
	v4 =	vadd.s32 v1, v4;
	_ =	sdelay $0x1  }
0xa2: {  	v3 =	vadd.s32 v1, v3;
	_ =	sdelay $0x2  }
0xa3: {  	[tilespmem:s22], [sflag:$0x1] =	stream.indirect_vreg.gather [hbm4b:s1+s2], $0x80, v4, vm0, $0xb8;
	[tilespmem:$0x8080] =	vst v63  }
0xa4: {  	_ = 	snop  }
0xa5: {  	[tilespmem:s23], [sflag:$0x1] =	stream.indirect_vreg.gather [hbm4b:s1+s2], $0x80, v3, vm0, $0xb8;
	[tilespmem:$0x8080] =	vst v63  }
0xa6: {  	v3 =	vld [tilespmem:$0x50];
	_ =	sdelay $0x4  }
0xa7: {  	v45 =	vshll.u32 v3, $0x1  }
0xa8: {  	v3 =	vand.u32 $0x7, v3;
	v4 =	vand.u32 $0xFFFFFFF0, v45  }
0xa9: {  	v3 =	vor.u32 v3, v4  }
0xaa: {  	v4 =	vperm.xlane v3, v0;
	_ =	sdelay $0x1  }
0xab: {  	v3 =	vperm.xlane v3, v2;
	v4 =	vadd.s32 v1, v4;
	_ =	sdelay $0x1  }
0xac: {  	v3 =	vadd.s32 v1, v3;
	_ =	sdelay $0x2  }
0xad: {  	[tilespmem:s24], [sflag:$0x1] =	stream.indirect_vreg.gather [hbm4b:s1+s2], $0x80, v4, vm0, $0xb8;
	[tilespmem:$0x8080] =	vst v63  }
0xae: {  	_ = 	snop  }
0xaf: {  	[tilespmem:s25], [sflag:$0x1] =	stream.indirect_vreg.gather [hbm4b:s1+s2], $0x80, v3, vm0, $0xb8;
	[tilespmem:$0x8080] =	vst v63  }
0xb0: {  	v3 =	vld [tilespmem:$0x60];
	_ =	sdelay $0x4  }
0xb1: {  	v46 =	vshll.u32 v3, $0x1  }
0xb2: {  	v3 =	vand.u32 $0x7, v3;
	v4 =	vand.u32 $0xFFFFFFF0, v46  }
0xb3: {  	v3 =	vor.u32 v3, v4  }
0xb4: {  	v4 =	vperm.xlane v3, v0;
	_ =	sdelay $0x1  }
0xb5: {  	v3 =	vperm.xlane v3, v2;
	v4 =	vadd.s32 v1, v4;
	_ =	sdelay $0x1  }
0xb6: {  	v3 =	vadd.s32 v1, v3;
	_ =	sdelay $0x2  }
0xb7: {  	[tilespmem:s26], [sflag:$0x1] =	stream.indirect_vreg.gather [hbm4b:s1+s2], $0x80, v4, vm0, $0xb8;
	[tilespmem:$0x8080] =	vst v63  }
0xb8: {  	_ = 	snop  }
0xb9: {  	[tilespmem:s28], [sflag:$0x1] =	stream.indirect_vreg.gather [hbm4b:s1+s2], $0x80, v3, vm0, $0xb8;
	[tilespmem:$0x8080] =	vst v63  }
0xba: {  	v3 =	vld [tilespmem:$0x70];
	_ =	sdelay $0x4  }
0xbb: {  	v47 =	vshll.u32 v3, $0x1  }
0xbc: {  	v3 =	vand.u32 $0x7, v3;
	v4 =	vand.u32 $0xFFFFFFF0, v47  }
0xbd: {  	v3 =	vor.u32 v3, v4  }
0xbe: {  	v4 =	vperm.xlane v3, v0;
	_ =	sdelay $0x1  }
0xbf: {  	v3 =	vperm.xlane v3, v2;
	v4 =	vadd.s32 v1, v4;
	_ =	sdelay $0x1  }
0xc0: {  	v3 =	vadd.s32 v1, v3;
	_ =	sdelay $0x2  }
0xc1: {  	[tilespmem:s29], [sflag:$0x1] =	stream.indirect_vreg.gather [hbm4b:s1+s2], $0x80, v4, vm0, $0xb8;
	[tilespmem:$0x8080] =	vst v63  }
0xc2: {  	_ = 	snop  }
0xc3: {  	[tilespmem:s30], [sflag:$0x1] =	stream.indirect_vreg.gather [hbm4b:s1+s2], $0x80, v3, vm0, $0xb8;
	[tilespmem:$0x8080] =	vst v63  }
0xc4: {  	_ =	swait.ge [sflag:s31], $0x8000  }
0xc5: {  	[sflag:s31] =	ssyncset.done $0x0  }
0xc6: {  	[sflag:s31] =	ssyncadd.s32 $0xFFFF8000  }
0xc7: {  	[hbm4b:s7+s2] =	stream.linear.scatter [tilespmem:s14], [sflag:$0x2], $0x8000, $0x38;
	[tilespmem:$0x8080] =	vst v63  }
0xc8: {  	_ =	swait.ge [sflag:s13], $0x8000  }
0xc9: {  	[sflag:s13] =	ssyncset.done $0x0  }
0xca: {  	[sflag:s13] =	ssyncadd.s32 $0xFFFF8000  }
0xcb: {  	[tilespmem:s2], [sflag:$0x2] =	stream.linear.gather [hbm4b:s8+s2], $0x80, $0x38;
	[tilespmem:$0x8080] =	vst v63  }
0xcc: {  	_ =	swait.ge [sflag:s13], $0x80  }
0xcd: {  	[sflag:s13] =	ssyncset.done $0x0  }
0xce: {  	[sflag:s13] =	ssyncadd.s32 $0xFFFFFF80  }
0xcf: {  	v3 =	vld [tilespmem:$0x0];
	_ =	sdelay $0x4  }
0xd0: {  	v48 =	vshll.u32 v3, $0x1  }
0xd1: {  	v3 =	vand.u32 $0x7, v3;
	v4 =	vand.u32 $0xFFFFFFF0, v48  }
0xd2: {  	v3 =	vor.u32 v3, v4  }
0xd3: {  	v4 =	vperm.xlane v3, v0;
	_ =	sdelay $0x1  }
0xd4: {  	v3 =	vperm.xlane v3, v2;
	v4 =	vadd.s32 v1, v4;
	_ =	sdelay $0x1  }
0xd5: {  	v3 =	vadd.s32 v1, v3;
	_ =	sdelay $0x2  }
0xd6: {  	[tilespmem:s14], [sflag:$0x1] =	stream.indirect_vreg.gather [hbm4b:s1+s2], $0x80, v4, vm0, $0xb8;
	[tilespmem:$0x8080] =	vst v63  }
0xd7: {  	_ = 	snop  }
0xd8: {  	[tilespmem:s15], [sflag:$0x1] =	stream.indirect_vreg.gather [hbm4b:s1+s2], $0x80, v3, vm0, $0xb8;
	[tilespmem:$0x8080] =	vst v63  }
0xd9: {  	v3 =	vld [tilespmem:$0x10];
	_ =	sdelay $0x4  }
0xda: {  	v49 =	vshll.u32 v3, $0x1  }
0xdb: {  	v3 =	vand.u32 $0x7, v3;
	v4 =	vand.u32 $0xFFFFFFF0, v49  }
0xdc: {  	v3 =	vor.u32 v3, v4  }
0xdd: {  	v4 =	vperm.xlane v3, v0;
	_ =	sdelay $0x1  }
0xde: {  	v3 =	vperm.xlane v3, v2;
	v4 =	vadd.s32 v1, v4;
	_ =	sdelay $0x1  }
0xdf: {  	v3 =	vadd.s32 v1, v3;
	_ =	sdelay $0x2  }
0xe0: {  	[tilespmem:s16], [sflag:$0x1] =	stream.indirect_vreg.gather [hbm4b:s1+s2], $0x80, v4, vm0, $0xb8;
	[tilespmem:$0x8080] =	vst v63  }
0xe1: {  	_ = 	snop  }
0xe2: {  	[tilespmem:s17], [sflag:$0x1] =	stream.indirect_vreg.gather [hbm4b:s1+s2], $0x80, v3, vm0, $0xb8;
	[tilespmem:$0x8080] =	vst v63  }
0xe3: {  	v3 =	vld [tilespmem:$0x20];
	_ =	sdelay $0x4  }
0xe4: {  	v50 =	vshll.u32 v3, $0x1  }
0xe5: {  	v3 =	vand.u32 $0x7, v3;
	v4 =	vand.u32 $0xFFFFFFF0, v50  }
0xe6: {  	v3 =	vor.u32 v3, v4  }
0xe7: {  	v4 =	vperm.xlane v3, v0;
	_ =	sdelay $0x1  }
0xe8: {  	v3 =	vperm.xlane v3, v2;
	v4 =	vadd.s32 v1, v4;
	_ =	sdelay $0x1  }
0xe9: {  	v3 =	vadd.s32 v1, v3;
	_ =	sdelay $0x2  }
0xea: {  	[tilespmem:s18], [sflag:$0x1] =	stream.indirect_vreg.gather [hbm4b:s1+s2], $0x80, v4, vm0, $0xb8;
	[tilespmem:$0x8080] =	vst v63  }
0xeb: {  	_ = 	snop  }
0xec: {  	[tilespmem:s19], [sflag:$0x1] =	stream.indirect_vreg.gather [hbm4b:s1+s2], $0x80, v3, vm0, $0xb8;
	[tilespmem:$0x8080] =	vst v63  }
0xed: {  	v3 =	vld [tilespmem:$0x30];
	_ =	sdelay $0x4  }
0xee: {  	v51 =	vshll.u32 v3, $0x1  }
0xef: {  	v3 =	vand.u32 $0x7, v3;
	v4 =	vand.u32 $0xFFFFFFF0, v51  }
0xf0: {  	v3 =	vor.u32 v3, v4  }
0xf1: {  	v4 =	vperm.xlane v3, v0;
	_ =	sdelay $0x1  }
0xf2: {  	v3 =	vperm.xlane v3, v2;
	v4 =	vadd.s32 v1, v4;
	_ =	sdelay $0x1  }
0xf3: {  	v3 =	vadd.s32 v1, v3;
	_ =	sdelay $0x2  }
0xf4: {  	[tilespmem:s20], [sflag:$0x1] =	stream.indirect_vreg.gather [hbm4b:s1+s2], $0x80, v4, vm0, $0xb8;
	[tilespmem:$0x8080] =	vst v63  }
0xf5: {  	_ = 	snop  }
0xf6: {  	[tilespmem:s21], [sflag:$0x1] =	stream.indirect_vreg.gather [hbm4b:s1+s2], $0x80, v3, vm0, $0xb8;
	[tilespmem:$0x8080] =	vst v63  }
0xf7: {  	v3 =	vld [tilespmem:$0x40];
	_ =	sdelay $0x4  }
0xf8: {  	v52 =	vshll.u32 v3, $0x1  }
0xf9: {  	v3 =	vand.u32 $0x7, v3;
	v4 =	vand.u32 $0xFFFFFFF0, v52  }
0xfa: {  	v3 =	vor.u32 v3, v4  }
0xfb: {  	v4 =	vperm.xlane v3, v0;
	_ =	sdelay $0x1  }
0xfc: {  	v3 =	vperm.xlane v3, v2;
	v4 =	vadd.s32 v1, v4;
	_ =	sdelay $0x1  }
0xfd: {  	v3 =	vadd.s32 v1, v3;
	_ =	sdelay $0x2  }
0xfe: {  	[tilespmem:s22], [sflag:$0x1] =	stream.indirect_vreg.gather [hbm4b:s1+s2], $0x80, v4, vm0, $0xb8;
	[tilespmem:$0x8080] =	vst v63  }
0xff: {  	_ = 	snop  }
0x100: {  	[tilespmem:s23], [sflag:$0x1] =	stream.indirect_vreg.gather [hbm4b:s1+s2], $0x80, v3, vm0, $0xb8;
	[tilespmem:$0x8080] =	vst v63  }
0x101: {  	v3 =	vld [tilespmem:$0x50];
	_ =	sdelay $0x4  }
0x102: {  	v53 =	vshll.u32 v3, $0x1  }
0x103: {  	v3 =	vand.u32 $0x7, v3;
	v4 =	vand.u32 $0xFFFFFFF0, v53  }
0x104: {  	v3 =	vor.u32 v3, v4  }
0x105: {  	v4 =	vperm.xlane v3, v0;
	_ =	sdelay $0x1  }
0x106: {  	v3 =	vperm.xlane v3, v2;
	v4 =	vadd.s32 v1, v4;
	_ =	sdelay $0x1  }
0x107: {  	v3 =	vadd.s32 v1, v3;
	_ =	sdelay $0x2  }
0x108: {  	[tilespmem:s24], [sflag:$0x1] =	stream.indirect_vreg.gather [hbm4b:s1+s2], $0x80, v4, vm0, $0xb8;
	[tilespmem:$0x8080] =	vst v63  }
0x109: {  	_ = 	snop  }
0x10a: {  	[tilespmem:s25], [sflag:$0x1] =	stream.indirect_vreg.gather [hbm4b:s1+s2], $0x80, v3, vm0, $0xb8;
	[tilespmem:$0x8080] =	vst v63  }
0x10b: {  	v3 =	vld [tilespmem:$0x60];
	_ =	sdelay $0x4  }
0x10c: {  	v54 =	vshll.u32 v3, $0x1  }
0x10d: {  	v3 =	vand.u32 $0x7, v3;
	v4 =	vand.u32 $0xFFFFFFF0, v54  }
0x10e: {  	v3 =	vor.u32 v3, v4  }
0x10f: {  	v4 =	vperm.xlane v3, v0;
	_ =	sdelay $0x1  }
0x110: {  	v3 =	vperm.xlane v3, v2;
	v4 =	vadd.s32 v1, v4;
	_ =	sdelay $0x1  }
0x111: {  	v3 =	vadd.s32 v1, v3;
	_ =	sdelay $0x2  }
0x112: {  	[tilespmem:s26], [sflag:$0x1] =	stream.indirect_vreg.gather [hbm4b:s1+s2], $0x80, v4, vm0, $0xb8;
	[tilespmem:$0x8080] =	vst v63  }
0x113: {  	_ = 	snop  }
0x114: {  	[tilespmem:s28], [sflag:$0x1] =	stream.indirect_vreg.gather [hbm4b:s1+s2], $0x80, v3, vm0, $0xb8;
	[tilespmem:$0x8080] =	vst v63  }
0x115: {  	v3 =	vld [tilespmem:$0x70];
	_ =	sdelay $0x4  }
0x116: {  	v55 =	vshll.u32 v3, $0x1  }
0x117: {  	v3 =	vand.u32 $0x7, v3;
	v4 =	vand.u32 $0xFFFFFFF0, v55  }
0x118: {  	v3 =	vor.u32 v3, v4  }
0x119: {  	v4 =	vperm.xlane v3, v0;
	_ =	sdelay $0x1  }
0x11a: {  	v3 =	vperm.xlane v3, v2;
	v4 =	vadd.s32 v1, v4;
	_ =	sdelay $0x1  }
0x11b: {  	v3 =	vadd.s32 v1, v3;
	_ =	sdelay $0x2  }
0x11c: {  	[tilespmem:s29], [sflag:$0x1] =	stream.indirect_vreg.gather [hbm4b:s1+s2], $0x80, v4, vm0, $0xb8;
	[tilespmem:$0x8080] =	vst v63  }
0x11d: {  	_ = 	snop  }
0x11e: {  	[tilespmem:s30], [sflag:$0x1] =	stream.indirect_vreg.gather [hbm4b:s1+s2], $0x80, v3, vm0, $0xb8;
	[tilespmem:$0x8080] =	vst v63  }
0x11f: {  	_ =	swait.ge [sflag:s31], $0x8000  }
0x120: {  	[sflag:s31] =	ssyncset.done $0x0  }
0x121: {  	[sflag:s31] =	ssyncadd.s32 $0xFFFF8000  }
0x122: {  	[hbm4b:s9+s2] =	stream.linear.scatter [tilespmem:s14], [sflag:$0x2], $0x8000, $0x38;
	[tilespmem:$0x8080] =	vst v63  }
0x123: {  	_ =	swait.ge [sflag:s13], $0x8000  }
0x124: {  	[sflag:s13] =	ssyncset.done $0x0  }
0x125: {  	[sflag:s13] =	ssyncadd.s32 $0xFFFF8000  }
0x126: {  	[tilespmem:s2], [sflag:$0x2] =	stream.linear.gather [hbm4b:s10+s2], $0x80, $0x38;
	[tilespmem:$0x8080] =	vst v63  }
0x127: {  	_ =	swait.ge [sflag:s13], $0x80  }
0x128: {  	[sflag:s13] =	ssyncset.done $0x0  }
0x129: {  	[sflag:s13] =	ssyncadd.s32 $0xFFFFFF80  }
0x12a: {  	v3 =	vld [tilespmem:$0x0];
	_ =	sdelay $0x4  }
0x12b: {  	v56 =	vshll.u32 v3, $0x1  }
0x12c: {  	v3 =	vand.u32 $0x7, v3;
	v4 =	vand.u32 $0xFFFFFFF0, v56  }
0x12d: {  	v3 =	vor.u32 v3, v4  }
0x12e: {  	v4 =	vperm.xlane v3, v0;
	_ =	sdelay $0x1  }
0x12f: {  	v3 =	vperm.xlane v3, v2;
	v4 =	vadd.s32 v1, v4;
	_ =	sdelay $0x1  }
0x130: {  	v3 =	vadd.s32 v1, v3;
	_ =	sdelay $0x2  }
0x131: {  	[tilespmem:s14], [sflag:$0x1] =	stream.indirect_vreg.gather [hbm4b:s1+s2], $0x80, v4, vm0, $0xb8;
	[tilespmem:$0x8080] =	vst v63  }
0x132: {  	_ = 	snop  }
0x133: {  	[tilespmem:s15], [sflag:$0x1] =	stream.indirect_vreg.gather [hbm4b:s1+s2], $0x80, v3, vm0, $0xb8;
	[tilespmem:$0x8080] =	vst v63  }
0x134: {  	v3 =	vld [tilespmem:$0x10];
	_ =	sdelay $0x4  }
0x135: {  	v57 =	vshll.u32 v3, $0x1  }
0x136: {  	v3 =	vand.u32 $0x7, v3;
	v4 =	vand.u32 $0xFFFFFFF0, v57  }
0x137: {  	v3 =	vor.u32 v3, v4  }
0x138: {  	v4 =	vperm.xlane v3, v0;
	_ =	sdelay $0x1  }
0x139: {  	v3 =	vperm.xlane v3, v2;
	v4 =	vadd.s32 v1, v4;
	_ =	sdelay $0x1  }
0x13a: {  	v3 =	vadd.s32 v1, v3;
	_ =	sdelay $0x2  }
0x13b: {  	[tilespmem:s16], [sflag:$0x1] =	stream.indirect_vreg.gather [hbm4b:s1+s2], $0x80, v4, vm0, $0xb8;
	[tilespmem:$0x8080] =	vst v63  }
0x13c: {  	_ = 	snop  }
0x13d: {  	[tilespmem:s17], [sflag:$0x1] =	stream.indirect_vreg.gather [hbm4b:s1+s2], $0x80, v3, vm0, $0xb8;
	[tilespmem:$0x8080] =	vst v63  }
0x13e: {  	v3 =	vld [tilespmem:$0x20];
	_ =	sdelay $0x4  }
0x13f: {  	v58 =	vshll.u32 v3, $0x1  }
0x140: {  	v3 =	vand.u32 $0x7, v3;
	v4 =	vand.u32 $0xFFFFFFF0, v58  }
0x141: {  	v3 =	vor.u32 v3, v4  }
0x142: {  	v4 =	vperm.xlane v3, v0;
	_ =	sdelay $0x1  }
0x143: {  	v3 =	vperm.xlane v3, v2;
	v4 =	vadd.s32 v1, v4;
	_ =	sdelay $0x1  }
0x144: {  	v3 =	vadd.s32 v1, v3;
	_ =	sdelay $0x2  }
0x145: {  	[tilespmem:s18], [sflag:$0x1] =	stream.indirect_vreg.gather [hbm4b:s1+s2], $0x80, v4, vm0, $0xb8;
	[tilespmem:$0x8080] =	vst v63  }
0x146: {  	_ = 	snop  }
0x147: {  	[tilespmem:s19], [sflag:$0x1] =	stream.indirect_vreg.gather [hbm4b:s1+s2], $0x80, v3, vm0, $0xb8;
	[tilespmem:$0x8080] =	vst v63  }
0x148: {  	v3 =	vld [tilespmem:$0x30];
	_ =	sdelay $0x4  }
0x149: {  	v59 =	vshll.u32 v3, $0x1  }
0x14a: {  	v3 =	vand.u32 $0x7, v3;
	v4 =	vand.u32 $0xFFFFFFF0, v59  }
0x14b: {  	v3 =	vor.u32 v3, v4  }
0x14c: {  	v4 =	vperm.xlane v3, v0;
	_ =	sdelay $0x1  }
0x14d: {  	v3 =	vperm.xlane v3, v2;
	v4 =	vadd.s32 v1, v4;
	_ =	sdelay $0x1  }
0x14e: {  	v3 =	vadd.s32 v1, v3;
	_ =	sdelay $0x2  }
0x14f: {  	[tilespmem:s20], [sflag:$0x1] =	stream.indirect_vreg.gather [hbm4b:s1+s2], $0x80, v4, vm0, $0xb8;
	[tilespmem:$0x8080] =	vst v63  }
0x150: {  	_ = 	snop  }
0x151: {  	[tilespmem:s21], [sflag:$0x1] =	stream.indirect_vreg.gather [hbm4b:s1+s2], $0x80, v3, vm0, $0xb8;
	[tilespmem:$0x8080] =	vst v63  }
0x152: {  	v3 =	vld [tilespmem:$0x40];
	_ =	sdelay $0x4  }
0x153: {  	v60 =	vshll.u32 v3, $0x1  }
0x154: {  	v3 =	vand.u32 $0x7, v3;
	v4 =	vand.u32 $0xFFFFFFF0, v60  }
0x155: {  	v3 =	vor.u32 v3, v4  }
0x156: {  	v4 =	vperm.xlane v3, v0;
	_ =	sdelay $0x1  }
0x157: {  	v3 =	vperm.xlane v3, v2;
	v4 =	vadd.s32 v1, v4;
	_ =	sdelay $0x1  }
0x158: {  	v3 =	vadd.s32 v1, v3;
	_ =	sdelay $0x2  }
0x159: {  	[tilespmem:s22], [sflag:$0x1] =	stream.indirect_vreg.gather [hbm4b:s1+s2], $0x80, v4, vm0, $0xb8;
	[tilespmem:$0x8080] =	vst v63  }
0x15a: {  	_ = 	snop  }
0x15b: {  	[tilespmem:s23], [sflag:$0x1] =	stream.indirect_vreg.gather [hbm4b:s1+s2], $0x80, v3, vm0, $0xb8;
	[tilespmem:$0x8080] =	vst v63  }
0x15c: {  	v3 =	vld [tilespmem:$0x50];
	_ =	sdelay $0x4  }
0x15d: {  	v61 =	vshll.u32 v3, $0x1  }
0x15e: {  	v3 =	vand.u32 $0x7, v3;
	v4 =	vand.u32 $0xFFFFFFF0, v61  }
0x15f: {  	v3 =	vor.u32 v3, v4  }
0x160: {  	v4 =	vperm.xlane v3, v0;
	_ =	sdelay $0x1  }
0x161: {  	v3 =	vperm.xlane v3, v2;
	v4 =	vadd.s32 v1, v4;
	_ =	sdelay $0x1  }
0x162: {  	v3 =	vadd.s32 v1, v3;
	_ =	sdelay $0x2  }
0x163: {  	[tilespmem:s24], [sflag:$0x1] =	stream.indirect_vreg.gather [hbm4b:s1+s2], $0x80, v4, vm0, $0xb8;
	[tilespmem:$0x8080] =	vst v63  }
0x164: {  	_ = 	snop  }
0x165: {  	[tilespmem:s25], [sflag:$0x1] =	stream.indirect_vreg.gather [hbm4b:s1+s2], $0x80, v3, vm0, $0xb8;
	[tilespmem:$0x8080] =	vst v63  }
0x166: {  	v3 =	vld [tilespmem:$0x60];
	_ =	sdelay $0x4  }
0x167: {  	v62 =	vshll.u32 v3, $0x1  }
0x168: {  	v3 =	vand.u32 $0x7, v3;
	v4 =	vand.u32 $0xFFFFFFF0, v62  }
0x169: {  	v3 =	vor.u32 v3, v4  }
0x16a: {  	v4 =	vperm.xlane v3, v0;
	_ =	sdelay $0x1  }
0x16b: {  	v3 =	vperm.xlane v3, v2;
	v4 =	vadd.s32 v1, v4;
	_ =	sdelay $0x1  }
0x16c: {  	v3 =	vadd.s32 v1, v3;
	_ =	sdelay $0x2  }
0x16d: {  	[tilespmem:s26], [sflag:$0x1] =	stream.indirect_vreg.gather [hbm4b:s1+s2], $0x80, v4, vm0, $0xb8;
	[tilespmem:$0x8080] =	vst v63  }
0x16e: {  	_ = 	snop  }
0x16f: {  	[tilespmem:s28], [sflag:$0x1] =	stream.indirect_vreg.gather [hbm4b:s1+s2], $0x80, v3, vm0, $0xb8;
	[tilespmem:$0x8080] =	vst v63  }
0x170: {  	v3 =	vld [tilespmem:$0x70];
	_ =	sdelay $0x4  }
0x171: {  	v63 =	vshll.u32 v3, $0x1  }
0x172: {  	v3 =	vand.u32 $0x7, v3;
	v4 =	vand.u32 $0xFFFFFFF0, v63  }
0x173: {  	v3 =	vor.u32 v3, v4  }
0x174: {  	v4 =	vperm.xlane v3, v0;
	_ =	sdelay $0x1  }
0x175: {  	v3 =	vperm.xlane v3, v2;
	v4 =	vadd.s32 v1, v4;
	_ =	sdelay $0x1  }
0x176: {  	v3 =	vadd.s32 v1, v3;
	_ =	sdelay $0x2  }
0x177: {  	[tilespmem:s29], [sflag:$0x1] =	stream.indirect_vreg.gather [hbm4b:s1+s2], $0x80, v4, vm0, $0xb8;
	[tilespmem:$0x8080] =	vst v63  }
0x178: {  	_ = 	snop  }
0x179: {  	[tilespmem:s30], [sflag:$0x1] =	stream.indirect_vreg.gather [hbm4b:s1+s2], $0x80, v3, vm0, $0xb8;
	[tilespmem:$0x8080] =	vst v63  }
0x17a: {  	_ =	swait.ge [sflag:s31], $0x8000  }
0x17b: {  	p0 =	sne.s32 s12, $0x1;
	[sflag:s31] =	ssyncset.done $0x0  }
.Ltmp0:
0x17c: {  	[sflag:s31] =	ssyncadd.s32 $0xFFFF8000;
	(pc) =	sbr.rel @p0 .LBB2_1-.Ltmp0, $4  }
0x17d: {  	[hbm4b:s11+s2] =	stream.linear.scatter [tilespmem:s14], [sflag:$0x2], $0x8000, $0x38;
	[tilespmem:$0x8080] =	vst v63  }
0x17e: {  	_ =	swait.ge [sflag:s13], $0x8000  }
0x17f: {  	[sflag:s13] =	ssyncset.done $0x0  }
0x180: {  	s12 =	sadd.s32 $0xFFFFFFFF, s12;
	[sflag:s13] =	ssyncadd.s32 $0xFFFF8000  }
0x181: {  	_ =	sfence.sel $0x180000  }
0x182: {  	[bflag:$0x0] =	sbarrier.arrive $0xFFFF  }
0x183: {  	p0 =	sne.s32 s3, $0x0;
	_ =	strace $0x90000047  }
0x184: {  	s0 =	sadd.s32 @!p0 $0x100000, s0;
	[bflag:$0x2] =	sbarrier.arrive $0xFFFF  }
0x185: {  	[sflag:s0] =	ssyncadd.tile.s32 @!p0 $0x1;
	_ =	shalt  }
.Lfunc_end2:
_tile_overlayer_lowered:
.L_overlay_start_2:
0x186: {  	(tag) =	ssettag $0x2  }
0x187: {  	s0 =	rddreg [dreg:$0x0];
	s2 =	stileid.u32  }
0x188: {  	s1 =	rddreg [dreg:$0x1];
	p0 =	sne.s32 s2, $0x0  }
0x189: {  	s3 =	rddreg [dreg:$0x2];
	[bflag:$0x3] =	sbarrier.arrive $0xFFFF;
	s2 =	simm.s32 @!p0 $0x1C02  }
0x18a: {  	[timem:s3], [sflag:s2] =	dma.local @!p0 [hbm:s0], s1  }
0x18b: {  	s0 =	simm.s32 @!p0 $0x2  }
0x18c: {  	_ =	swait.ge @!p0 [sflag:s0], s1  }
0x18d: {  	s1 =	ssub.s32 @!p0 $0x0, s1;
	[sflag:s0] =	ssyncset.done @!p0 $0x0  }
0x18e: {  	[sflag:s0] =	ssyncadd.s32 @!p0 s1  }
0x18f: {  	[bflag:$0x3] =	sbarrier.arrive $0xFFFF  }
0x190: {  	_ =	shalt  }

</sc_bundles>
